<compile_context>
chip_gen: v7x
topology: tpu7x:2x2x1
jax: 0.10.2.dev20260603
libtpu: 0.0.44.dev20260713+nightly
codegen_flags: <defaults>
</compile_context>

<pallas_src>
import functools

import jax
import jax.numpy as jnp
import numpy as np
from jax import lax
from jax.experimental import pallas as pl
from jax.experimental.pallas import tpu as pltpu
from jax.experimental.pallas import tpu_sc as plsc

N_NODES = 10000
NPAD = 10240
SLICE = NPAD // 16
DEAD = 10016
D_IN = 128
NT = 32
LANES = 16
CK = 96
DON = 8
BN = 2000

def _mesh():
    return plsc.VectorSubcoreMesh(core_axis_name="c", subcore_axis_name="s")


@functools.lru_cache(maxsize=None)
def _make_deg(ch):

    @functools.partial(
        pl.kernel,
        mesh=_mesh(),
        compiler_params=pltpu.CompilerParams(
            needs_layout_passes=False, use_tc_tiling_on_sc=False),
        out_type=(jax.ShapeDtypeStruct((NT, NPAD), jnp.float32),
                  jax.ShapeDtypeStruct((2, NPAD), jnp.float32)),
        scratch_types=[
            pltpu.VMEM((ch, CK), jnp.int32),
            pltpu.VMEM((NPAD,), jnp.float32),
            pltpu.VMEM((SLICE,), jnp.float32),
            pltpu.VMEM((16, SLICE), jnp.float32),
        ],
    )
    def deg_kernel(pk_hbm, stage_hbm, out_hbm, pk_v, deg_v, acc_v, tmp_v):
        c = lax.axis_index("c")
        s = lax.axis_index("s")
        wid = c * 16 + s
        pltpu.sync_copy(pk_hbm.at[wid], pk_v)
        zero = jnp.zeros((LANES,), jnp.float32)
        one = jnp.ones((LANES,), jnp.float32)

        def zb(i, carry):
            deg_v[pl.ds(i * LANES, LANES)] = zero
            return carry

        lax.fori_loop(0, NPAD // LANES, zb, 0)

        def hb(i, carry):
            p = pk_v[i // (CK // LANES), pl.ds((i % (CK // LANES)) * LANES, LANES)]
            idx = lax.bitwise_and(p, 16383)
            plsc.addupdate_scatter(deg_v, [idx], one)
            return carry

        lax.fori_loop(0, ch * (CK // LANES), hb, 0)

        pltpu.sync_copy(deg_v, stage_hbm.at[wid])
        plsc.subcore_barrier()

        pltpu.sync_copy(
            stage_hbm.at[pl.ds(c * 16, 16), pl.ds(s * SLICE, SLICE)], tmp_v)

        def ab(i, carry):
            sl = pl.ds(i * LANES, LANES)
            v = tmp_v[0, sl]
            for t in range(1, 16):
                v = v + tmp_v[t, sl]
            acc_v[sl] = v
            return carry

        lax.fori_loop(0, SLICE // LANES, ab, 0)
        pltpu.sync_copy(acc_v, out_hbm.at[c, pl.ds(s * SLICE, SLICE)])

    return deg_kernel


@functools.lru_cache(maxsize=None)
def _make_agg(ch):
    ch0 = ch - DON
    ch1 = ch + DON
    chmax = max(ch0, ch1)

    @functools.partial(
        pl.kernel,
        mesh=_mesh(),
        compiler_params=pltpu.CompilerParams(
            needs_layout_passes=False, use_tc_tiling_on_sc=False),
        out_type=jax.ShapeDtypeStruct((2, NPAD, D_IN), jnp.float32),
        scratch_types=[
            pltpu.VMEM((chmax, CK), jnp.int32),
            pltpu.VMEM((4, CK), jnp.int32),
            pltpu.VMEM((4, CK), jnp.int32),
            pltpu.VMEM((CK, D_IN), jnp.float32),
            pltpu.VMEM((CK, D_IN), jnp.float32),
            pltpu.VMEM_SHARED((NPAD, D_IN), jnp.float32),
            pltpu.SemaphoreType.DMA,
            pltpu.SemaphoreType.DMA,
            pltpu.SemaphoreType.DMA,
            pltpu.SemaphoreType.DMA,
        ],
    )
    def agg_kernel(pk_hbm, y_hbm, out_hbm, pk_v, col_r, row_r, gbuf0, gbuf1,
                   acc_sh, gs0, gs1, ss0, ss1):
        c = lax.axis_index("c")
        s = lax.axis_index("s")
        wid = c * 16 + s
        nch = jnp.where(c == 0, ch0, ch1)
        pltpu.sync_copy(pk_hbm.at[wid], pk_v.at[pl.ds(0, ch)])
        if DON:
            @pl.when(c == 1)
            def _():
                pltpu.sync_copy(pk_hbm.at[s, pl.ds(ch0, DON)],
                                pk_v.at[pl.ds(ch, DON)])

        zero = jnp.zeros((LANES,), jnp.float32)
        nsub = CK // LANES

        def unpack(g):
            slot = lax.rem(g, 4)

            def uu(j, carry):
                sl = pl.ds(j * LANES, LANES)
                p = pk_v[g, sl]
                row_r[slot, sl] = lax.shift_right_logical(p, 14)
                col_r[slot, sl] = lax.bitwise_and(p, 16383)
                return carry

            lax.fori_loop(0, nsub, uu, 0)

        def zb(i, carry):
            gbuf0[i // (D_IN // LANES),
                  pl.ds((i % (D_IN // LANES)) * LANES, LANES)] = zero
            return carry

        lax.fori_loop(0, CK * (D_IN // LANES), zb, 0)
        for k in range(SLICE // CK):
            pltpu.sync_copy(gbuf0, acc_sh.at[pl.ds(s * SLICE + k * CK, CK)])
        rem = SLICE - (SLICE // CK) * CK
        if rem:
            pltpu.sync_copy(
                gbuf0.at[pl.ds(0, rem)],
                acc_sh.at[pl.ds(s * SLICE + (SLICE // CK) * CK, rem)])

        unpack(jnp.int32(0))
        unpack(jnp.int32(1))
        pltpu.async_copy(y_hbm.at[row_r.at[0]], gbuf0, gs0)
        pltpu.async_copy(y_hbm.at[row_r.at[1]], gbuf1, gs1)
        plsc.subcore_barrier()

        def eb(i, carry):
            g0 = i * 2
            g1 = g0 + 1
            s0 = lax.rem(g0, 4)
            s1 = lax.rem(g1, 4)
            pltpu.make_async_copy(y_hbm.at[row_r.at[s0]], gbuf0, gs0).wait()
            pltpu.async_copy(gbuf0, acc_sh.at[col_r.at[s0]], ss0, add=True)
            pltpu.make_async_copy(y_hbm.at[row_r.at[s1]], gbuf1, gs1).wait()
            pltpu.async_copy(gbuf1, acc_sh.at[col_r.at[s1]], ss1, add=True)
            pltpu.make_async_copy(gbuf0, acc_sh.at[col_r.at[s0]], ss0).wait()

            @pl.when(g0 + 2 < nch)
            def _():
                unpack(g0 + 2)
                pltpu.async_copy(y_hbm.at[row_r.at[lax.rem(g0 + 2, 4)]],
                                 gbuf0, gs0)

            pltpu.make_async_copy(gbuf1, acc_sh.at[col_r.at[s1]], ss1).wait()

            @pl.when(g1 + 2 < nch)
            def _():
                unpack(g1 + 2)
                pltpu.async_copy(y_hbm.at[row_r.at[lax.rem(g1 + 2, 4)]],
                                 gbuf1, gs1)

            return carry

        lax.fori_loop(0, nch // 2, eb, 0)

        plsc.subcore_barrier()
        pltpu.sync_copy(acc_sh.at[pl.ds(s * SLICE, SLICE)],
                        out_hbm.at[c, pl.ds(s * SLICE, SLICE)])

    return agg_kernel


def _prep_body(pr_ref, x_ref, dis_ref, y_ref):
    deg = pr_ref[0] + pr_ref[1]
    dis = jnp.where(deg > 0.0, lax.rsqrt(deg), 0.0)
    dis_ref[...] = dis
    y_ref[...] = x_ref[...] * dis[:N_NODES]


def _final_body(q_ref, dis_ref, w1t_ref, b1_ref, wat_ref, ba_ref,
                wot_ref, bo_ref, out_ref, acc_ref, m_ref, z_ref):
    i = pl.program_id(0)

    @pl.when(i == 0)
    def _init():
        m_ref[0] = -jnp.inf
        z_ref[0] = 0.0
        acc_ref[...] = jnp.zeros_like(acc_ref)

    agg = (q_ref[0] + q_ref[1]) * dis_ref[...]
    h = jnp.dot(agg, w1t_ref[...], preferred_element_type=jnp.float32)
    h = jnp.maximum(h + b1_ref[...], 0.0)
    sv = jnp.dot(h, wat_ref[...], preferred_element_type=jnp.float32)
    sv = sv + ba_ref[...]
    bm = jnp.max(sv)
    m_old = m_ref[0]
    m_new = jnp.maximum(m_old, bm)
    alpha = jnp.exp(m_old - m_new)
    w = jnp.exp(sv - m_new)
    z_ref[0] = z_ref[0] * alpha + jnp.sum(w)
    acc_ref[...] = acc_ref[...] * alpha + jnp.sum(w * h, axis=0, keepdims=True)
    m_ref[0] = m_new

    @pl.when(i == pl.num_programs(0) - 1)
    def _fin():
        pooled = acc_ref[...] / z_ref[0]
        out_ref[...] = jnp.dot(pooled, wot_ref[...],
                               preferred_element_type=jnp.float32) + bo_ref[...]


def kernel(x, edge_index, W1, b1, Wa, ba, Wo, bo):
    n, d_in = x.shape
    d_hid = W1.shape[0]
    d_out = Wo.shape[0]
    e = edge_index.shape[1]

    ei = edge_index.astype(jnp.int32)
    ar = jnp.arange(n, dtype=jnp.int32)
    row = jnp.concatenate([ei[0], ar, ar])
    col = jnp.concatenate([ei[1], ar, ar])
    etot = e + 2 * n
    ch = -(-etot // (NT * CK))
    ch += ch % 2
    npad = NT * CK * ch - etot
    packed = row * 16384 + col
    deadvals = DEAD + (jnp.arange(npad, dtype=jnp.int32) % (NPAD - DEAD))
    packed = jnp.concatenate([packed, deadvals])
    pk3 = packed.reshape(NT, ch, CK)

    _, deg_partial = _make_deg(ch)(pk3)
    pr2 = deg_partial.reshape(2, NPAD, 1)
    dis_col, y = pl.pallas_call(
        _prep_body,
        out_shape=(jax.ShapeDtypeStruct((NPAD, 1), jnp.float32),
                   jax.ShapeDtypeStruct((n, d_in), jnp.float32)),
    )(pr2, x)
    q = _make_agg(ch)(pk3, y)

    out = pl.pallas_call(
        _final_body,
        grid=(n // BN,),
        in_specs=[
            pl.BlockSpec((2, BN, d_in), lambda i: (0, i, 0)),
            pl.BlockSpec((BN, 1), lambda i: (i, 0)),
            pl.BlockSpec((d_in, d_hid), lambda i: (0, 0)),
            pl.BlockSpec((1, d_hid), lambda i: (0, 0)),
            pl.BlockSpec((d_hid, 1), lambda i: (0, 0)),
            pl.BlockSpec((1, 1), lambda i: (0, 0)),
            pl.BlockSpec((d_hid, d_out), lambda i: (0, 0)),
            pl.BlockSpec((1, d_out), lambda i: (0, 0)),
        ],
        out_specs=pl.BlockSpec((1, d_out), lambda i: (0, 0)),
        out_shape=jax.ShapeDtypeStruct((1, d_out), jnp.float32),
        scratch_shapes=[
            pltpu.VMEM((1, d_hid), jnp.float32),
            pltpu.SMEM((1,), jnp.float32),
            pltpu.SMEM((1,), jnp.float32),
        ],
    )(q, dis_col, W1.T, b1.reshape(1, d_hid), Wa.T, ba.reshape(1, 1),
      Wo.T, bo.reshape(1, d_out))
    return out

# --- scband reference (transcript-rebuilt; emitter-appended) ---
"""Pipeline reference for scband-gnnwith-attention-28114855920358 (READ-ONLY COPY).

The authoritative reference and input builder live on the scoring server;
editing this copy changes nothing except your own understanding.
"""

import jax, jax.numpy as jnp
import numpy as np


def _add_self_loops(edge_index, num_nodes):
    loop = jnp.arange(num_nodes, dtype=edge_index.dtype)
    loops = jnp.stack([loop, loop], axis=0)
    return jnp.concatenate([edge_index, loops], axis=1)


def _gcn_conv(x, edge_index, W, b):
    # Faithful GCNConv: lin -> add self loops -> sym norm -> scatter-add -> bias
    N = x.shape[0]
    ei = _add_self_loops(edge_index, N)  # GCNConv adds self loops internally (default)
    row, col = ei[0], ei[1]
    ones = jnp.ones(ei.shape[1], dtype=x.dtype)
    deg = jax.ops.segment_sum(ones, col, num_segments=N)
    deg_inv_sqrt = jnp.where(deg > 0, deg ** -0.5, 0.0)
    norm = deg_inv_sqrt[row] * deg_inv_sqrt[col]
    xw = x @ W.T
    msg = xw[row] * norm[:, None]
    out = jax.ops.segment_sum(msg, col, num_segments=N)
    return out + b


def setup_inputs(seed: int = 0) -> dict:
    key = jax.random.key(seed)
    k = jax.random.split(key, 8)
    N, d_in, d_hid, d_out, E = 10000, 128, 256, 128, 320000
    x = jax.random.normal(k[0], (N, d_in), dtype=jnp.float32)
    edge_index = jax.random.randint(k[1], (2, E), 0, N, dtype=jnp.int64)
    W1 = jax.random.normal(k[2], (d_hid, d_in), dtype=jnp.float32) * (1.0 / np.sqrt(d_in))
    b1 = jnp.zeros((d_hid,), dtype=jnp.float32)
    Wa = jax.random.normal(k[3], (1, d_hid), dtype=jnp.float32) * (1.0 / np.sqrt(d_hid))
    ba = jnp.zeros((1,), dtype=jnp.float32)
    Wo = jax.random.normal(k[4], (d_out, d_hid), dtype=jnp.float32) * (1.0 / np.sqrt(d_hid))
    bo = jnp.zeros((d_out,), dtype=jnp.float32)
    return {"x": x, "edge_index": edge_index, "W1": W1, "b1": b1, "Wa": Wa, "ba": ba, "Wo": Wo, "bo": bo}


def reference(x, edge_index, W1, b1, Wa, ba, Wo, bo):
    N = x.shape[0]
    # forward: edge_index, _ = add_self_loops(edge_index)
    ei = _add_self_loops(edge_index, N)
    h = jax.nn.relu(_gcn_conv(x, ei, W1, b1))
    att_logits = h @ Wa.T + ba                      # [N, 1]
    att_weights = jax.nn.softmax(att_logits, axis=0)  # softmax over nodes (dim=0)
    h_att = att_weights.T @ h                       # [1, hidden]
    output = h_att @ Wo.T + bo                      # [1, output_dim]
    return output

if __name__ == "__main__":
    import jax
    _d = setup_inputs()
    print(jax.jit(kernel)(*tuple(_d.values())))

</pallas_src>

<mosaic_0001>
#map = affine_map<(d0, d1) -> (0, 0, 0)>
#map1 = affine_map<(d0, d1) -> (0, 0)>
module attributes {stable_mosaic.version = 14 : i64} {
  func.func @deg_kernel(%arg0: i32, %arg1: i32, %arg2: memref<32x112x96xi32, #tpu.memory_space<hbm>>, %arg3: memref<32x10240xf32, #tpu.memory_space<hbm>>, %arg4: memref<2x10240xf32, #tpu.memory_space<hbm>>, %arg5: memref<112x96xi32, #tpu.memory_space<vmem>>, %arg6: memref<10240xf32, #tpu.memory_space<vmem>>, %arg7: memref<640xf32, #tpu.memory_space<vmem>>, %arg8: memref<16x640xf32, #tpu.memory_space<vmem>>) attributes {dimension_semantics = [#tpu.dimension_semantics<core_parallel>, #tpu.dimension_semantics<subcore_parallel>], iteration_bounds = array<i64: 2, 16>, scalar_prefetch = 0 : i64, scratch_operands = 4 : i64, tpu.core_type = #tpu.core_type<sc_vector_subcore>, window_params = [{transform_indices = #map}, {transform_indices = #map1}, {transform_indices = #map1}]} {
    %mul3A = arith.constant 16 : i32
    %mul3A_0 = arith.muli %arg0, %mul3A : i32
    %add3A = arith.addi %mul3A_0, %arg1 : i32
    "tpu.region"() ({
      %run_scoped3A = tpu.sem_alloc : memref<!tpu.dma_semaphore, #tpu.memory_space<semaphore_mem>>
      %dma_start3A = arith.constant 0 : i32
      %dma_start3A_27 = arith.constant 0 : i32
      %dma_start3A_28 = tpu.memref_slice %arg2[%add3A, %dma_start3A, %dma_start3A_27] : memref<32x112x96xi32, #tpu.memory_space<hbm>> -> memref<1x112x96xi32, #tpu.memory_space<hbm>>
      %dma_start3A_29 = tpu.memref_squeeze %dma_start3A_28 : memref<1x112x96xi32, #tpu.memory_space<hbm>> -> memref<112x96xi32, #tpu.memory_space<hbm>>
      %dma_start3A_30 = arith.constant 0 : i32
      %dma_start3A_31 = arith.constant 0 : i32
      %dma_start3A_32 = tpu.memref_slice %arg2[%add3A, %dma_start3A_30, %dma_start3A_31] : memref<32x112x96xi32, #tpu.memory_space<hbm>> -> memref<1x112x96xi32, #tpu.memory_space<hbm>>
      %dma_start3A_33 = tpu.memref_squeeze %dma_start3A_32 : memref<1x112x96xi32, #tpu.memory_space<hbm>> -> memref<112x96xi32, #tpu.memory_space<hbm>>
      tpu.enqueue_dma source(%dma_start3A_33 : memref<112x96xi32, #tpu.memory_space<hbm>>) target(%arg5 : memref<112x96xi32, #tpu.memory_space<vmem>>) target_semaphore(%run_scoped3A : memref<!tpu.dma_semaphore, #tpu.memory_space<semaphore_mem>>)
      %dma_wait3A = arith.constant 0 : i32
      %dma_wait3A_34 = arith.constant 0 : i32
      %dma_wait3A_35 = tpu.memref_slice %arg2[%add3A, %dma_wait3A, %dma_wait3A_34] : memref<32x112x96xi32, #tpu.memory_space<hbm>> -> memref<1x112x96xi32, #tpu.memory_space<hbm>>
      %dma_wait3A_36 = tpu.memref_squeeze %dma_wait3A_35 : memref<1x112x96xi32, #tpu.memory_space<hbm>> -> memref<112x96xi32, #tpu.memory_space<hbm>>
      %dma_wait3A_37 = arith.constant 0 : i32
      %dma_wait3A_38 = arith.constant 0 : i32
      %dma_wait3A_39 = tpu.memref_slice %arg2[%add3A, %dma_wait3A_37, %dma_wait3A_38] : memref<32x112x96xi32, #tpu.memory_space<hbm>> -> memref<1x112x96xi32, #tpu.memory_space<hbm>>
      %dma_wait3A_40 = tpu.memref_squeeze %dma_wait3A_39 : memref<1x112x96xi32, #tpu.memory_space<hbm>> -> memref<112x96xi32, #tpu.memory_space<hbm>>
      tpu.wait_dma2 semaphore(%run_scoped3A : memref<!tpu.dma_semaphore, #tpu.memory_space<semaphore_mem>>) src(%dma_wait3A_40 : memref<112x96xi32, #tpu.memory_space<hbm>>) dst(%arg5 : memref<112x96xi32, #tpu.memory_space<vmem>>)
      tpu.yield
    }) : () -> ()
    %broadcast_in_dim3A = arith.constant 0.000000e+00 : f32
    %broadcast_in_dim3A_1 = vector.broadcast %broadcast_in_dim3A : f32 to vector<16xf32>
    %broadcast_in_dim3A_2 = arith.constant 1.000000e+00 : f32
    %broadcast_in_dim3A_3 = vector.broadcast %broadcast_in_dim3A_2 : f32 to vector<16xf32>
    %scan3A = arith.constant 0 : i32
    %scan3A_4 = arith.constant 0 : i32
    %scan3A_5 = arith.constant 640 : i32
    %scan3A_6 = arith.addi %scan3A_4, %scan3A_5 : i32
    %scan3A_7 = arith.constant 1 : i32
    scf.for %scan3A_27 = %scan3A_4 to %scan3A_6 step %scan3A_7  : i32 {
      %mul3A_28 = arith.constant 16 : i32
      %mul3A_29 = arith.muli %scan3A_27, %mul3A_28 : i32
      %swap3A = arith.index_cast %mul3A_29 : i32 to index
      %swap3A_30 = tpu.vector_load %arg6[%swap3A] {strides = array<i32>} : memref<10240xf32, #tpu.memory_space<vmem>>, vector<16xf32>,
      tpu.vector_store %arg6[%swap3A], %broadcast_in_dim3A_1 {strides = array<i32>} : memref<10240xf32, #tpu.memory_space<vmem>>, vector<16xf32>,
    }
    %scan3A_8 = arith.constant 640 : i32
    %scan3A_9 = arith.constant 0 : i32
    %scan3A_10 = arith.constant 0 : i32
    %scan3A_11 = arith.constant 672 : i32
    %scan3A_12 = arith.addi %scan3A_10, %scan3A_11 : i32
    %scan3A_13 = arith.constant 1 : i32
    scf.for %scan3A_27 = %scan3A_10 to %scan3A_12 step %scan3A_13  : i32 {
      %jit3A = arith.constant 6 : i32
      %div3A = arith.divsi %scan3A_27, %jit3A : i32
      %sign3A = arith.constant 0 : i32
      %sign3A_28 = arith.cmpi sgt, %scan3A_27, %sign3A : i32
      %sign3A_29 = arith.extui %sign3A_28 : i1 to i32
      %sign3A_30 = arith.constant 0 : i32
      %sign3A_31 = arith.cmpi slt, %scan3A_27, %sign3A_30 : i32
      %sign3A_32 = arith.extui %sign3A_31 : i1 to i32
      %sign3A_33 = arith.subi %sign3A_29, %sign3A_32 : i32
      %sign3A_34 = arith.constant 0 : i32
      %sign3A_35 = arith.cmpi sgt, %jit3A, %sign3A_34 : i32
      %sign3A_36 = arith.extui %sign3A_35 : i1 to i32
      %sign3A_37 = arith.constant 0 : i32
      %sign3A_38 = arith.cmpi slt, %jit3A, %sign3A_37 : i32
      %sign3A_39 = arith.extui %sign3A_38 : i1 to i32
      %sign3A_40 = arith.subi %sign3A_36, %sign3A_39 : i32
      %ne3A = arith.cmpi ne, %sign3A_33, %sign3A_40 : i32
      %rem3A = arith.remsi %scan3A_27, %jit3A : i32
      %ne3A_41 = arith.constant 0 : i32
      %ne3A_42 = arith.cmpi ne, %rem3A, %ne3A_41 : i32
      %and3A = arith.andi %ne3A, %ne3A_42 : i1
      %sub3A = arith.constant 1 : i32
      %sub3A_43 = arith.subi %div3A, %sub3A : i32
      %select_n3A = arith.select %and3A, %sub3A_43, %div3A : i32
      %jit3A_44 = arith.constant 6 : i32
      %eq3A = arith.constant 0 : i32
      %eq3A_45 = arith.cmpi eq, %jit3A_44, %eq3A : i32
      %jit3A_46 = arith.constant 1 : i32
      %select_n3A_47 = arith.select %eq3A_45, %jit3A_46, %jit3A_44 : i32
      %rem3A_48 = arith.remsi %scan3A_27, %select_n3A_47 : i32
      %ne3A_49 = arith.constant 0 : i32
      %ne3A_50 = arith.cmpi ne, %rem3A_48, %ne3A_49 : i32
      %lt3A = arith.constant 0 : i32
      %lt3A_51 = arith.cmpi slt, %rem3A_48, %lt3A : i32
      %lt3A_52 = arith.constant 0 : i32
      %lt3A_53 = arith.cmpi slt, %select_n3A_47, %lt3A_52 : i32
      %ne3A_54 = arith.xori %lt3A_51, %lt3A_53 : i1
      %and3A_55 = arith.andi %ne3A_54, %ne3A_50 : i1
      %add3A_56 = arith.addi %rem3A_48, %select_n3A_47 : i32
      %select_n3A_57 = arith.select %and3A_55, %add3A_56, %rem3A_48 : i32
      %mul3A_58 = arith.constant 16 : i32
      %mul3A_59 = arith.muli %select_n3A_57, %mul3A_58 : i32
      %get3A = arith.index_cast %select_n3A : i32 to index
      %get3A_60 = arith.index_cast %mul3A_59 : i32 to index
      %get3A_61 = tpu.vector_load %arg5[%get3A, %get3A_60] {strides = array<i32>} : memref<112x96xi32, #tpu.memory_space<vmem>>, vector<16xi32>,
      %and3A_62 = arith.constant 16383 : i32
      %and3A_63 = vector.broadcast %and3A_62 : i32 to vector<16xi32>
      %and3A_64 = arith.andi %get3A_61, %and3A_63 : vector<16xi32>
      tpu.vector_store_idx %arg6[%and3A_64], %broadcast_in_dim3A_3 {add = true} : memref<10240xf32, #tpu.memory_space<vmem>>[vector<16xi32>], vector<16xf32>,
    }
    %scan3A_14 = arith.constant 672 : i32
    "tpu.region"() ({
      %run_scoped3A = tpu.sem_alloc : memref<!tpu.dma_semaphore, #tpu.memory_space<semaphore_mem>>
      %dma_start3A = arith.constant 0 : i32
      %dma_start3A_27 = tpu.memref_slice %arg3[%add3A, %dma_start3A] : memref<32x10240xf32, #tpu.memory_space<hbm>> -> memref<1x10240xf32, #tpu.memory_space<hbm>>
      %dma_start3A_28 = tpu.memref_squeeze %dma_start3A_27 : memref<1x10240xf32, #tpu.memory_space<hbm>> -> memref<10240xf32, #tpu.memory_space<hbm>>
      %dma_start3A_29 = arith.constant 0 : i32
      %dma_start3A_30 = tpu.memref_slice %arg3[%add3A, %dma_start3A_29] : memref<32x10240xf32, #tpu.memory_space<hbm>> -> memref<1x10240xf32, #tpu.memory_space<hbm>>
      %dma_start3A_31 = tpu.memref_squeeze %dma_start3A_30 : memref<1x10240xf32, #tpu.memory_space<hbm>> -> memref<10240xf32, #tpu.memory_space<hbm>>
      tpu.enqueue_dma source(%arg6 : memref<10240xf32, #tpu.memory_space<vmem>>) target(%dma_start3A_31 : memref<10240xf32, #tpu.memory_space<hbm>>) target_semaphore(%run_scoped3A : memref<!tpu.dma_semaphore, #tpu.memory_space<semaphore_mem>>)
      %dma_wait3A = arith.constant 0 : i32
      %dma_wait3A_32 = tpu.memref_slice %arg3[%add3A, %dma_wait3A] : memref<32x10240xf32, #tpu.memory_space<hbm>> -> memref<1x10240xf32, #tpu.memory_space<hbm>>
      %dma_wait3A_33 = tpu.memref_squeeze %dma_wait3A_32 : memref<1x10240xf32, #tpu.memory_space<hbm>> -> memref<10240xf32, #tpu.memory_space<hbm>>
      %dma_wait3A_34 = arith.constant 0 : i32
      %dma_wait3A_35 = tpu.memref_slice %arg3[%add3A, %dma_wait3A_34] : memref<32x10240xf32, #tpu.memory_space<hbm>> -> memref<1x10240xf32, #tpu.memory_space<hbm>>
      %dma_wait3A_36 = tpu.memref_squeeze %dma_wait3A_35 : memref<1x10240xf32, #tpu.memory_space<hbm>> -> memref<10240xf32, #tpu.memory_space<hbm>>
      tpu.wait_dma2 semaphore(%run_scoped3A : memref<!tpu.dma_semaphore, #tpu.memory_space<semaphore_mem>>) src(%arg6 : memref<10240xf32, #tpu.memory_space<vmem>>) dst(%dma_wait3A_36 : memref<10240xf32, #tpu.memory_space<hbm>>)
      tpu.yield
    }) : () -> ()
    %barrier3A = arith.constant 0 : index
    tpu.barrier barrier_id(%barrier3A)
    %mul3A_15 = arith.constant 16 : i32
    %mul3A_16 = arith.muli %arg0, %mul3A_15 : i32
    %mul3A_17 = arith.constant 640 : i32
    %mul3A_18 = arith.muli %arg1, %mul3A_17 : i32
    "tpu.region"() ({
      %run_scoped3A = tpu.sem_alloc : memref<!tpu.dma_semaphore, #tpu.memory_space<semaphore_mem>>
      %dma_start3A = tpu.memref_slice %arg3[%mul3A_16, %mul3A_18] : memref<32x10240xf32, #tpu.memory_space<hbm>> -> memref<16x640xf32, #tpu.memory_space<hbm>>
      %dma_start3A_27 = tpu.memref_slice %arg3[%mul3A_16, %mul3A_18] : memref<32x10240xf32, #tpu.memory_space<hbm>> -> memref<16x640xf32, #tpu.memory_space<hbm>>
      tpu.enqueue_dma source(%dma_start3A_27 : memref<16x640xf32, #tpu.memory_space<hbm>>) target(%arg8 : memref<16x640xf32, #tpu.memory_space<vmem>>) target_semaphore(%run_scoped3A : memref<!tpu.dma_semaphore, #tpu.memory_space<semaphore_mem>>)
      %dma_wait3A = tpu.memref_slice %arg3[%mul3A_16, %mul3A_18] : memref<32x10240xf32, #tpu.memory_space<hbm>> -> memref<16x640xf32, #tpu.memory_space<hbm>>
      %dma_wait3A_28 = tpu.memref_slice %arg3[%mul3A_16, %mul3A_18] : memref<32x10240xf32, #tpu.memory_space<hbm>> -> memref<16x640xf32, #tpu.memory_space<hbm>>
      tpu.wait_dma2 semaphore(%run_scoped3A : memref<!tpu.dma_semaphore, #tpu.memory_space<semaphore_mem>>) src(%dma_wait3A_28 : memref<16x640xf32, #tpu.memory_space<hbm>>) dst(%arg8 : memref<16x640xf32, #tpu.memory_space<vmem>>)
      tpu.yield
    }) : () -> ()
    %scan3A_19 = arith.constant 0 : i32
    %scan3A_20 = arith.constant 0 : i32
    %scan3A_21 = arith.constant 40 : i32
    %scan3A_22 = arith.addi %scan3A_20, %scan3A_21 : i32
    %scan3A_23 = arith.constant 1 : i32
    scf.for %scan3A_27 = %scan3A_20 to %scan3A_22 step %scan3A_23  : i32 {
      %mul3A_28 = arith.constant 16 : i32
      %mul3A_29 = arith.muli %scan3A_27, %mul3A_28 : i32
      %get3A = arith.constant 0 : i32
      %get3A_30 = arith.index_cast %get3A : i32 to index
      %get3A_31 = arith.index_cast %mul3A_29 : i32 to index
      %get3A_32 = tpu.vector_load %arg8[%get3A_30, %get3A_31] {strides = array<i32>} : memref<16x640xf32, #tpu.memory_space<vmem>>, vector<16xf32>,
      %get3A_33 = arith.constant 1 : i32
      %get3A_34 = arith.index_cast %get3A_33 : i32 to index
      %get3A_35 = arith.index_cast %mul3A_29 : i32 to index
      %get3A_36 = tpu.vector_load %arg8[%get3A_34, %get3A_35] {strides = array<i32>} : memref<16x640xf32, #tpu.memory_space<vmem>>, vector<16xf32>,
      %add3A_37 = arith.addf %get3A_32, %get3A_36 : vector<16xf32>
      %get3A_38 = arith.constant 2 : i32
      %get3A_39 = arith.index_cast %get3A_38 : i32 to index
      %get3A_40 = arith.index_cast %mul3A_29 : i32 to index
      %get3A_41 = tpu.vector_load %arg8[%get3A_39, %get3A_40] {strides = array<i32>} : memref<16x640xf32, #tpu.memory_space<vmem>>, vector<16xf32>,
      %add3A_42 = arith.addf %add3A_37, %get3A_41 : vector<16xf32>
      %get3A_43 = arith.constant 3 : i32
      %get3A_44 = arith.index_cast %get3A_43 : i32 to index
      %get3A_45 = arith.index_cast %mul3A_29 : i32 to index
      %get3A_46 = tpu.vector_load %arg8[%get3A_44, %get3A_45] {strides = array<i32>} : memref<16x640xf32, #tpu.memory_space<vmem>>, vector<16xf32>,
      %add3A_47 = arith.addf %add3A_42, %get3A_46 : vector<16xf32>
      %get3A_48 = arith.constant 4 : i32
      %get3A_49 = arith.index_cast %get3A_48 : i32 to index
      %get3A_50 = arith.index_cast %mul3A_29 : i32 to index
      %get3A_51 = tpu.vector_load %arg8[%get3A_49, %get3A_50] {strides = array<i32>} : memref<16x640xf32, #tpu.memory_space<vmem>>, vector<16xf32>,
      %add3A_52 = arith.addf %add3A_47, %get3A_51 : vector<16xf32>
      %get3A_53 = arith.constant 5 : i32
      %get3A_54 = arith.index_cast %get3A_53 : i32 to index
      %get3A_55 = arith.index_cast %mul3A_29 : i32 to index
      %get3A_56 = tpu.vector_load %arg8[%get3A_54, %get3A_55] {strides = array<i32>} : memref<16x640xf32, #tpu.memory_space<vmem>>, vector<16xf32>,
      %add3A_57 = arith.addf %add3A_52, %get3A_56 : vector<16xf32>
      %get3A_58 = arith.constant 6 : i32
      %get3A_59 = arith.index_cast %get3A_58 : i32 to index
      %get3A_60 = arith.index_cast %mul3A_29 : i32 to index
      %get3A_61 = tpu.vector_load %arg8[%get3A_59, %get3A_60] {strides = array<i32>} : memref<16x640xf32, #tpu.memory_space<vmem>>, vector<16xf32>,
      %add3A_62 = arith.addf %add3A_57, %get3A_61 : vector<16xf32>
      %get3A_63 = arith.constant 7 : i32
      %get3A_64 = arith.index_cast %get3A_63 : i32 to index
      %get3A_65 = arith.index_cast %mul3A_29 : i32 to index
      %get3A_66 = tpu.vector_load %arg8[%get3A_64, %get3A_65] {strides = array<i32>} : memref<16x640xf32, #tpu.memory_space<vmem>>, vector<16xf32>,
      %add3A_67 = arith.addf %add3A_62, %get3A_66 : vector<16xf32>
      %get3A_68 = arith.constant 8 : i32
      %get3A_69 = arith.index_cast %get3A_68 : i32 to index
      %get3A_70 = arith.index_cast %mul3A_29 : i32 to index
      %get3A_71 = tpu.vector_load %arg8[%get3A_69, %get3A_70] {strides = array<i32>} : memref<16x640xf32, #tpu.memory_space<vmem>>, vector<16xf32>,
      %add3A_72 = arith.addf %add3A_67, %get3A_71 : vector<16xf32>
      %get3A_73 = arith.constant 9 : i32
      %get3A_74 = arith.index_cast %get3A_73 : i32 to index
      %get3A_75 = arith.index_cast %mul3A_29 : i32 to index
      %get3A_76 = tpu.vector_load %arg8[%get3A_74, %get3A_75] {strides = array<i32>} : memref<16x640xf32, #tpu.memory_space<vmem>>, vector<16xf32>,
      %add3A_77 = arith.addf %add3A_72, %get3A_76 : vector<16xf32>
      %get3A_78 = arith.constant 10 : i32
      %get3A_79 = arith.index_cast %get3A_78 : i32 to index
      %get3A_80 = arith.index_cast %mul3A_29 : i32 to index
      %get3A_81 = tpu.vector_load %arg8[%get3A_79, %get3A_80] {strides = array<i32>} : memref<16x640xf32, #tpu.memory_space<vmem>>, vector<16xf32>,
      %add3A_82 = arith.addf %add3A_77, %get3A_81 : vector<16xf32>
      %get3A_83 = arith.constant 11 : i32
      %get3A_84 = arith.index_cast %get3A_83 : i32 to index
      %get3A_85 = arith.index_cast %mul3A_29 : i32 to index
      %get3A_86 = tpu.vector_load %arg8[%get3A_84, %get3A_85] {strides = array<i32>} : memref<16x640xf32, #tpu.memory_space<vmem>>, vector<16xf32>,
      %add3A_87 = arith.addf %add3A_82, %get3A_86 : vector<16xf32>
      %get3A_88 = arith.constant 12 : i32
      %get3A_89 = arith.index_cast %get3A_88 : i32 to index
      %get3A_90 = arith.index_cast %mul3A_29 : i32 to index
      %get3A_91 = tpu.vector_load %arg8[%get3A_89, %get3A_90] {strides = array<i32>} : memref<16x640xf32, #tpu.memory_space<vmem>>, vector<16xf32>,
      %add3A_92 = arith.addf %add3A_87, %get3A_91 : vector<16xf32>
      %get3A_93 = arith.constant 13 : i32
      %get3A_94 = arith.index_cast %get3A_93 : i32 to index
      %get3A_95 = arith.index_cast %mul3A_29 : i32 to index
      %get3A_96 = tpu.vector_load %arg8[%get3A_94, %get3A_95] {strides = array<i32>} : memref<16x640xf32, #tpu.memory_space<vmem>>, vector<16xf32>,
      %add3A_97 = arith.addf %add3A_92, %get3A_96 : vector<16xf32>
      %get3A_98 = arith.constant 14 : i32
      %get3A_99 = arith.index_cast %get3A_98 : i32 to index
      %get3A_100 = arith.index_cast %mul3A_29 : i32 to index
      %get3A_101 = tpu.vector_load %arg8[%get3A_99, %get3A_100] {strides = array<i32>} : memref<16x640xf32, #tpu.memory_space<vmem>>, vector<16xf32>,
      %add3A_102 = arith.addf %add3A_97, %get3A_101 : vector<16xf32>
      %get3A_103 = arith.constant 15 : i32
      %get3A_104 = arith.index_cast %get3A_103 : i32 to index
      %get3A_105 = arith.index_cast %mul3A_29 : i32 to index
      %get3A_106 = tpu.vector_load %arg8[%get3A_104, %get3A_105] {strides = array<i32>} : memref<16x640xf32, #tpu.memory_space<vmem>>, vector<16xf32>,
      %add3A_107 = arith.addf %add3A_102, %get3A_106 : vector<16xf32>
      %swap3A = arith.index_cast %mul3A_29 : i32 to index
      %swap3A_108 = tpu.vector_load %arg7[%swap3A] {strides = array<i32>} : memref<640xf32, #tpu.memory_space<vmem>>, vector<16xf32>,
      tpu.vector_store %arg7[%swap3A], %add3A_107 {strides = array<i32>} : memref<640xf32, #tpu.memory_space<vmem>>, vector<16xf32>,
    }
    %scan3A_24 = arith.constant 40 : i32
    %mul3A_25 = arith.constant 640 : i32
    %mul3A_26 = arith.muli %arg1, %mul3A_25 : i32
    "tpu.region"() ({
      %run_scoped3A = tpu.sem_alloc : memref<!tpu.dma_semaphore, #tpu.memory_space<semaphore_mem>>
      %dma_start3A = tpu.memref_slice %arg4[%arg0, %mul3A_26] : memref<2x10240xf32, #tpu.memory_space<hbm>> -> memref<1x640xf32, #tpu.memory_space<hbm>>
      %dma_start3A_27 = tpu.memref_squeeze %dma_start3A : memref<1x640xf32, #tpu.memory_space<hbm>> -> memref<640xf32, #tpu.memory_space<hbm>>
      %dma_start3A_28 = tpu.memref_slice %arg4[%arg0, %mul3A_26] : memref<2x10240xf32, #tpu.memory_space<hbm>> -> memref<1x640xf32, #tpu.memory_space<hbm>>
      %dma_start3A_29 = tpu.memref_squeeze %dma_start3A_28 : memref<1x640xf32, #tpu.memory_space<hbm>> -> memref<640xf32, #tpu.memory_space<hbm>>
      tpu.enqueue_dma source(%arg7 : memref<640xf32, #tpu.memory_space<vmem>>) target(%dma_start3A_29 : memref<640xf32, #tpu.memory_space<hbm>>) target_semaphore(%run_scoped3A : memref<!tpu.dma_semaphore, #tpu.memory_space<semaphore_mem>>)
      %dma_wait3A = tpu.memref_slice %arg4[%arg0, %mul3A_26] : memref<2x10240xf32, #tpu.memory_space<hbm>> -> memref<1x640xf32, #tpu.memory_space<hbm>>
      %dma_wait3A_30 = tpu.memref_squeeze %dma_wait3A : memref<1x640xf32, #tpu.memory_space<hbm>> -> memref<640xf32, #tpu.memory_space<hbm>>
      %dma_wait3A_31 = tpu.memref_slice %arg4[%arg0, %mul3A_26] : memref<2x10240xf32, #tpu.memory_space<hbm>> -> memref<1x640xf32, #tpu.memory_space<hbm>>
      %dma_wait3A_32 = tpu.memref_squeeze %dma_wait3A_31 : memref<1x640xf32, #tpu.memory_space<hbm>> -> memref<640xf32, #tpu.memory_space<hbm>>
      tpu.wait_dma2 semaphore(%run_scoped3A : memref<!tpu.dma_semaphore, #tpu.memory_space<semaphore_mem>>) src(%arg7 : memref<640xf32, #tpu.memory_space<vmem>>) dst(%dma_wait3A_32 : memref<640xf32, #tpu.memory_space<hbm>>)
      tpu.yield
    }) : () -> ()
    return
  }
}

#map = affine_map<(d0, d1) -> (0, 0, 0)>
#map1 = affine_map<(d0, d1) -> (0, 0)>
module attributes {stable_mosaic.version = 14 : i64} {
  func.func @agg_kernel(%arg0: i32, %arg1: i32, %arg2: memref<32x112x96xi32, #tpu.memory_space<hbm>>, %arg3: memref<10000x128xf32, #tpu.memory_space<hbm>>, %arg4: memref<2x10240x128xf32, #tpu.memory_space<hbm>>, %arg5: memref<120x96xi32, #tpu.memory_space<vmem>>, %arg6: memref<4x96xi32, #tpu.memory_space<vmem>>, %arg7: memref<4x96xi32, #tpu.memory_space<vmem>>, %arg8: memref<96x128xf32, #tpu.memory_space<vmem>>, %arg9: memref<96x128xf32, #tpu.memory_space<vmem>>, %arg10: memref<10240x128xf32, #tpu.memory_space<vmem_shared>>, %arg11: memref<!tpu.dma_semaphore, #tpu.memory_space<semaphore_mem>>, %arg12: memref<!tpu.dma_semaphore, #tpu.memory_space<semaphore_mem>>, %arg13: memref<!tpu.dma_semaphore, #tpu.memory_space<semaphore_mem>>, %arg14: memref<!tpu.dma_semaphore, #tpu.memory_space<semaphore_mem>>) attributes {dimension_semantics = [#tpu.dimension_semantics<core_parallel>, #tpu.dimension_semantics<subcore_parallel>], iteration_bounds = array<i64: 2, 16>, scalar_prefetch = 0 : i64, scratch_operands = 10 : i64, tpu.core_type = #tpu.core_type<sc_vector_subcore>, window_params = [{transform_indices = #map}, {transform_indices = #map1}, {transform_indices = #map}]} {
    %mul3A = arith.constant 16 : i32
    %mul3A_0 = arith.muli %arg0, %mul3A : i32
    %add3A = arith.addi %mul3A_0, %arg1 : i32
    %eq3A = arith.constant 0 : i32
    %eq3A_1 = arith.cmpi eq, %arg0, %eq3A : i32
    %jit3A = arith.constant 104 : i32
    %jit3A_2 = arith.constant 120 : i32
    %select_n3A = arith.select %eq3A_1, %jit3A, %jit3A_2 : i32
    "tpu.region"() ({
      %run_scoped3A = tpu.sem_alloc : memref<!tpu.dma_semaphore, #tpu.memory_space<semaphore_mem>>
      %dma_start3A_105 = arith.constant 0 : i32
      %dma_start3A_106 = arith.constant 0 : i32
      %dma_start3A_107 = tpu.memref_slice %arg5[%dma_start3A_105, %dma_start3A_106] : memref<120x96xi32, #tpu.memory_space<vmem>> -> memref<112x96xi32, #tpu.memory_space<vmem>>
      %dma_start3A_108 = arith.constant 0 : i32
      %dma_start3A_109 = arith.constant 0 : i32
      %dma_start3A_110 = tpu.memref_slice %arg2[%add3A, %dma_start3A_108, %dma_start3A_109] : memref<32x112x96xi32, #tpu.memory_space<hbm>> -> memref<1x112x96xi32, #tpu.memory_space<hbm>>
      %dma_start3A_111 = tpu.memref_squeeze %dma_start3A_110 : memref<1x112x96xi32, #tpu.memory_space<hbm>> -> memref<112x96xi32, #tpu.memory_space<hbm>>
      %dma_start3A_112 = arith.constant 0 : i32
      %dma_start3A_113 = arith.constant 0 : i32
      %dma_start3A_114 = tpu.memref_slice %arg5[%dma_start3A_112, %dma_start3A_113] : memref<120x96xi32, #tpu.memory_space<vmem>> -> memref<112x96xi32, #tpu.memory_space<vmem>>
      %dma_start3A_115 = arith.constant 0 : i32
      %dma_start3A_116 = arith.constant 0 : i32
      %dma_start3A_117 = tpu.memref_slice %arg2[%add3A, %dma_start3A_115, %dma_start3A_116] : memref<32x112x96xi32, #tpu.memory_space<hbm>> -> memref<1x112x96xi32, #tpu.memory_space<hbm>>
      %dma_start3A_118 = tpu.memref_squeeze %dma_start3A_117 : memref<1x112x96xi32, #tpu.memory_space<hbm>> -> memref<112x96xi32, #tpu.memory_space<hbm>>
      tpu.enqueue_dma source(%dma_start3A_118 : memref<112x96xi32, #tpu.memory_space<hbm>>) target(%dma_start3A_114 : memref<112x96xi32, #tpu.memory_space<vmem>>) target_semaphore(%run_scoped3A : memref<!tpu.dma_semaphore, #tpu.memory_space<semaphore_mem>>)
      %dma_wait3A = arith.constant 0 : i32
      %dma_wait3A_119 = arith.constant 0 : i32
      %dma_wait3A_120 = tpu.memref_slice %arg5[%dma_wait3A, %dma_wait3A_119] : memref<120x96xi32, #tpu.memory_space<vmem>> -> memref<112x96xi32, #tpu.memory_space<vmem>>
      %dma_wait3A_121 = arith.constant 0 : i32
      %dma_wait3A_122 = arith.constant 0 : i32
      %dma_wait3A_123 = tpu.memref_slice %arg2[%add3A, %dma_wait3A_121, %dma_wait3A_122] : memref<32x112x96xi32, #tpu.memory_space<hbm>> -> memref<1x112x96xi32, #tpu.memory_space<hbm>>
      %dma_wait3A_124 = tpu.memref_squeeze %dma_wait3A_123 : memref<1x112x96xi32, #tpu.memory_space<hbm>> -> memref<112x96xi32, #tpu.memory_space<hbm>>
      %dma_wait3A_125 = arith.constant 0 : i32
      %dma_wait3A_126 = arith.constant 0 : i32
      %dma_wait3A_127 = tpu.memref_slice %arg5[%dma_wait3A_125, %dma_wait3A_126] : memref<120x96xi32, #tpu.memory_space<vmem>> -> memref<112x96xi32, #tpu.memory_space<vmem>>
      %dma_wait3A_128 = arith.constant 0 : i32
      %dma_wait3A_129 = arith.constant 0 : i32
      %dma_wait3A_130 = tpu.memref_slice %arg2[%add3A, %dma_wait3A_128, %dma_wait3A_129] : memref<32x112x96xi32, #tpu.memory_space<hbm>> -> memref<1x112x96xi32, #tpu.memory_space<hbm>>
      %dma_wait3A_131 = tpu.memref_squeeze %dma_wait3A_130 : memref<1x112x96xi32, #tpu.memory_space<hbm>> -> memref<112x96xi32, #tpu.memory_space<hbm>>
      tpu.wait_dma2 semaphore(%run_scoped3A : memref<!tpu.dma_semaphore, #tpu.memory_space<semaphore_mem>>) src(%dma_wait3A_131 : memref<112x96xi32, #tpu.memory_space<hbm>>) dst(%dma_wait3A_127 : memref<112x96xi32, #tpu.memory_space<vmem>>)
      tpu.yield
    }) : () -> ()
    %eq3A_3 = arith.constant 1 : i32
    %eq3A_4 = arith.cmpi eq, %arg0, %eq3A_3 : i32
    %convert_element_type3A = arith.extui %eq3A_4 : i1 to i32
    %cond3A = arith.constant 0 : i32
    %cond3A_5 = arith.cmpi ne, %convert_element_type3A, %cond3A : i32
    scf.if %cond3A_5 {
      "tpu.region"() ({
        %run_scoped3A = tpu.sem_alloc : memref<!tpu.dma_semaphore, #tpu.memory_space<semaphore_mem>>
        %dma_start3A_105 = arith.constant 112 : i32
        %dma_start3A_106 = arith.constant 0 : i32
        %dma_start3A_107 = tpu.memref_slice %arg5[%dma_start3A_105, %dma_start3A_106] : memref<120x96xi32, #tpu.memory_space<vmem>> -> memref<8x96xi32, #tpu.memory_space<vmem>>
        %dma_start3A_108 = arith.constant 104 : i32
        %dma_start3A_109 = arith.constant 0 : i32
        %dma_start3A_110 = tpu.memref_slice %arg2[%arg1, %dma_start3A_108, %dma_start3A_109] : memref<32x112x96xi32, #tpu.memory_space<hbm>> -> memref<1x8x96xi32, #tpu.memory_space<hbm>>
        %dma_start3A_111 = tpu.memref_squeeze %dma_start3A_110 : memref<1x8x96xi32, #tpu.memory_space<hbm>> -> memref<8x96xi32, #tpu.memory_space<hbm>>
        %dma_start3A_112 = arith.constant 112 : i32
        %dma_start3A_113 = arith.constant 0 : i32
        %dma_start3A_114 = tpu.memref_slice %arg5[%dma_start3A_112, %dma_start3A_113] : memref<120x96xi32, #tpu.memory_space<vmem>> -> memref<8x96xi32, #tpu.memory_space<vmem>>
        %dma_start3A_115 = arith.constant 104 : i32
        %dma_start3A_116 = arith.constant 0 : i32
        %dma_start3A_117 = tpu.memref_slice %arg2[%arg1, %dma_start3A_115, %dma_start3A_116] : memref<32x112x96xi32, #tpu.memory_space<hbm>> -> memref<1x8x96xi32, #tpu.memory_space<hbm>>
        %dma_start3A_118 = tpu.memref_squeeze %dma_start3A_117 : memref<1x8x96xi32, #tpu.memory_space<hbm>> -> memref<8x96xi32, #tpu.memory_space<hbm>>
        tpu.enqueue_dma source(%dma_start3A_118 : memref<8x96xi32, #tpu.memory_space<hbm>>) target(%dma_start3A_114 : memref<8x96xi32, #tpu.memory_space<vmem>>) target_semaphore(%run_scoped3A : memref<!tpu.dma_semaphore, #tpu.memory_space<semaphore_mem>>)
        %dma_wait3A = arith.constant 112 : i32
        %dma_wait3A_119 = arith.constant 0 : i32
        %dma_wait3A_120 = tpu.memref_slice %arg5[%dma_wait3A, %dma_wait3A_119] : memref<120x96xi32, #tpu.memory_space<vmem>> -> memref<8x96xi32, #tpu.memory_space<vmem>>
        %dma_wait3A_121 = arith.constant 104 : i32
        %dma_wait3A_122 = arith.constant 0 : i32
        %dma_wait3A_123 = tpu.memref_slice %arg2[%arg1, %dma_wait3A_121, %dma_wait3A_122] : memref<32x112x96xi32, #tpu.memory_space<hbm>> -> memref<1x8x96xi32, #tpu.memory_space<hbm>>
        %dma_wait3A_124 = tpu.memref_squeeze %dma_wait3A_123 : memref<1x8x96xi32, #tpu.memory_space<hbm>> -> memref<8x96xi32, #tpu.memory_space<hbm>>
        %dma_wait3A_125 = arith.constant 112 : i32
        %dma_wait3A_126 = arith.constant 0 : i32
        %dma_wait3A_127 = tpu.memref_slice %arg5[%dma_wait3A_125, %dma_wait3A_126] : memref<120x96xi32, #tpu.memory_space<vmem>> -> memref<8x96xi32, #tpu.memory_space<vmem>>
        %dma_wait3A_128 = arith.constant 104 : i32
        %dma_wait3A_129 = arith.constant 0 : i32
        %dma_wait3A_130 = tpu.memref_slice %arg2[%arg1, %dma_wait3A_128, %dma_wait3A_129] : memref<32x112x96xi32, #tpu.memory_space<hbm>> -> memref<1x8x96xi32, #tpu.memory_space<hbm>>
        %dma_wait3A_131 = tpu.memref_squeeze %dma_wait3A_130 : memref<1x8x96xi32, #tpu.memory_space<hbm>> -> memref<8x96xi32, #tpu.memory_space<hbm>>
        tpu.wait_dma2 semaphore(%run_scoped3A : memref<!tpu.dma_semaphore, #tpu.memory_space<semaphore_mem>>) src(%dma_wait3A_131 : memref<8x96xi32, #tpu.memory_space<hbm>>) dst(%dma_wait3A_127 : memref<8x96xi32, #tpu.memory_space<vmem>>)
        tpu.yield
      }) : () -> ()
    } else {
    }
    %broadcast_in_dim3A = arith.constant 0.000000e+00 : f32
    %broadcast_in_dim3A_6 = vector.broadcast %broadcast_in_dim3A : f32 to vector<16xf32>
    %scan3A = arith.constant 0 : i32
    %scan3A_7 = arith.constant 0 : i32
    %scan3A_8 = arith.constant 768 : i32
    %scan3A_9 = arith.addi %scan3A_7, %scan3A_8 : i32
    %scan3A_10 = arith.constant 1 : i32
    scf.for %scan3A_105 = %scan3A_7 to %scan3A_9 step %scan3A_10  : i32 {
      %jit3A_106 = arith.constant 8 : i32
      %div3A_107 = arith.divsi %scan3A_105, %jit3A_106 : i32
      %sign3A_108 = arith.constant 0 : i32
      %sign3A_109 = arith.cmpi sgt, %scan3A_105, %sign3A_108 : i32
      %sign3A_110 = arith.extui %sign3A_109 : i1 to i32
      %sign3A_111 = arith.constant 0 : i32
      %sign3A_112 = arith.cmpi slt, %scan3A_105, %sign3A_111 : i32
      %sign3A_113 = arith.extui %sign3A_112 : i1 to i32
      %sign3A_114 = arith.subi %sign3A_110, %sign3A_113 : i32
      %sign3A_115 = arith.constant 0 : i32
      %sign3A_116 = arith.cmpi sgt, %jit3A_106, %sign3A_115 : i32
      %sign3A_117 = arith.extui %sign3A_116 : i1 to i32
      %sign3A_118 = arith.constant 0 : i32
      %sign3A_119 = arith.cmpi slt, %jit3A_106, %sign3A_118 : i32
      %sign3A_120 = arith.extui %sign3A_119 : i1 to i32
      %sign3A_121 = arith.subi %sign3A_117, %sign3A_120 : i32
      %ne3A_122 = arith.cmpi ne, %sign3A_114, %sign3A_121 : i32
      %rem3A_123 = arith.remsi %scan3A_105, %jit3A_106 : i32
      %ne3A_124 = arith.constant 0 : i32
      %ne3A_125 = arith.cmpi ne, %rem3A_123, %ne3A_124 : i32
      %and3A_126 = arith.andi %ne3A_122, %ne3A_125 : i1
      %sub3A_127 = arith.constant 1 : i32
      %sub3A_128 = arith.subi %div3A_107, %sub3A_127 : i32
      %select_n3A_129 = arith.select %and3A_126, %sub3A_128, %div3A_107 : i32
      %jit3A_130 = arith.constant 8 : i32
      %eq3A_131 = arith.constant 0 : i32
      %eq3A_132 = arith.cmpi eq, %jit3A_130, %eq3A_131 : i32
      %jit3A_133 = arith.constant 1 : i32
      %select_n3A_134 = arith.select %eq3A_132, %jit3A_133, %jit3A_130 : i32
      %rem3A_135 = arith.remsi %scan3A_105, %select_n3A_134 : i32
      %ne3A_136 = arith.constant 0 : i32
      %ne3A_137 = arith.cmpi ne, %rem3A_135, %ne3A_136 : i32
      %lt3A = arith.constant 0 : i32
      %lt3A_138 = arith.cmpi slt, %rem3A_135, %lt3A : i32
      %lt3A_139 = arith.constant 0 : i32
      %lt3A_140 = arith.cmpi slt, %select_n3A_134, %lt3A_139 : i32
      %ne3A_141 = arith.xori %lt3A_138, %lt3A_140 : i1
      %and3A_142 = arith.andi %ne3A_141, %ne3A_137 : i1
      %add3A_143 = arith.addi %rem3A_135, %select_n3A_134 : i32
      %select_n3A_144 = arith.select %and3A_142, %add3A_143, %rem3A_135 : i32
      %mul3A_145 = arith.constant 16 : i32
      %mul3A_146 = arith.muli %select_n3A_144, %mul3A_145 : i32
      %swap3A = arith.index_cast %select_n3A_129 : i32 to index
      %swap3A_147 = arith.index_cast %mul3A_146 : i32 to index
      %swap3A_148 = tpu.vector_load %arg8[%swap3A, %swap3A_147] {strides = array<i32>} : memref<96x128xf32, #tpu.memory_space<vmem>>, vector<16xf32>,
      tpu.vector_store %arg8[%swap3A, %swap3A_147], %broadcast_in_dim3A_6 {strides = array<i32>} : memref<96x128xf32, #tpu.memory_space<vmem>>, vector<16xf32>,
    }
    %scan3A_11 = arith.constant 768 : i32
    %mul3A_12 = arith.constant 640 : i32
    %mul3A_13 = arith.muli %arg1, %mul3A_12 : i32
    %add3A_14 = arith.constant 0 : i32
    %add3A_15 = arith.addi %mul3A_13, %add3A_14 : i32
    "tpu.region"() ({
      %run_scoped3A = tpu.sem_alloc : memref<!tpu.dma_semaphore, #tpu.memory_space<semaphore_mem>>
      %dma_start3A_105 = arith.constant 0 : i32
      %dma_start3A_106 = tpu.memref_slice %arg10[%add3A_15, %dma_start3A_105] : memref<10240x128xf32, #tpu.memory_space<vmem_shared>> -> memref<96x128xf32, #tpu.memory_space<vmem_shared>>
      %dma_start3A_107 = arith.constant 0 : i32
      %dma_start3A_108 = tpu.memref_slice %arg10[%add3A_15, %dma_start3A_107] : memref<10240x128xf32, #tpu.memory_space<vmem_shared>> -> memref<96x128xf32, #tpu.memory_space<vmem_shared>>
      tpu.enqueue_dma source(%arg8 : memref<96x128xf32, #tpu.memory_space<vmem>>) target(%dma_start3A_108 : memref<96x128xf32, #tpu.memory_space<vmem_shared>>) target_semaphore(%run_scoped3A : memref<!tpu.dma_semaphore, #tpu.memory_space<semaphore_mem>>)
      %dma_wait3A = arith.constant 0 : i32
      %dma_wait3A_109 = tpu.memref_slice %arg10[%add3A_15, %dma_wait3A] : memref<10240x128xf32, #tpu.memory_space<vmem_shared>> -> memref<96x128xf32, #tpu.memory_space<vmem_shared>>
      %dma_wait3A_110 = arith.constant 0 : i32
      %dma_wait3A_111 = tpu.memref_slice %arg10[%add3A_15, %dma_wait3A_110] : memref<10240x128xf32, #tpu.memory_space<vmem_shared>> -> memref<96x128xf32, #tpu.memory_space<vmem_shared>>
      tpu.wait_dma2 semaphore(%run_scoped3A : memref<!tpu.dma_semaphore, #tpu.memory_space<semaphore_mem>>) src(%arg8 : memref<96x128xf32, #tpu.memory_space<vmem>>) dst(%dma_wait3A_111 : memref<96x128xf32, #tpu.memory_space<vmem_shared>>)
      tpu.yield
    }) : () -> ()
    %mul3A_16 = arith.constant 640 : i32
    %mul3A_17 = arith.muli %arg1, %mul3A_16 : i32
    %add3A_18 = arith.constant 96 : i32
    %add3A_19 = arith.addi %mul3A_17, %add3A_18 : i32
    "tpu.region"() ({
      %run_scoped3A = tpu.sem_alloc : memref<!tpu.dma_semaphore, #tpu.memory_space<semaphore_mem>>
      %dma_start3A_105 = arith.constant 0 : i32
      %dma_start3A_106 = tpu.memref_slice %arg10[%add3A_19, %dma_start3A_105] : memref<10240x128xf32, #tpu.memory_space<vmem_shared>> -> memref<96x128xf32, #tpu.memory_space<vmem_shared>>
      %dma_start3A_107 = arith.constant 0 : i32
      %dma_start3A_108 = tpu.memref_slice %arg10[%add3A_19, %dma_start3A_107] : memref<10240x128xf32, #tpu.memory_space<vmem_shared>> -> memref<96x128xf32, #tpu.memory_space<vmem_shared>>
      tpu.enqueue_dma source(%arg8 : memref<96x128xf32, #tpu.memory_space<vmem>>) target(%dma_start3A_108 : memref<96x128xf32, #tpu.memory_space<vmem_shared>>) target_semaphore(%run_scoped3A : memref<!tpu.dma_semaphore, #tpu.memory_space<semaphore_mem>>)
      %dma_wait3A = arith.constant 0 : i32
      %dma_wait3A_109 = tpu.memref_slice %arg10[%add3A_19, %dma_wait3A] : memref<10240x128xf32, #tpu.memory_space<vmem_shared>> -> memref<96x128xf32, #tpu.memory_space<vmem_shared>>
      %dma_wait3A_110 = arith.constant 0 : i32
      %dma_wait3A_111 = tpu.memref_slice %arg10[%add3A_19, %dma_wait3A_110] : memref<10240x128xf32, #tpu.memory_space<vmem_shared>> -> memref<96x128xf32, #tpu.memory_space<vmem_shared>>
      tpu.wait_dma2 semaphore(%run_scoped3A : memref<!tpu.dma_semaphore, #tpu.memory_space<semaphore_mem>>) src(%arg8 : memref<96x128xf32, #tpu.memory_space<vmem>>) dst(%dma_wait3A_111 : memref<96x128xf32, #tpu.memory_space<vmem_shared>>)
      tpu.yield
    }) : () -> ()
    %mul3A_20 = arith.constant 640 : i32
    %mul3A_21 = arith.muli %arg1, %mul3A_20 : i32
    %add3A_22 = arith.constant 192 : i32
    %add3A_23 = arith.addi %mul3A_21, %add3A_22 : i32
    "tpu.region"() ({
      %run_scoped3A = tpu.sem_alloc : memref<!tpu.dma_semaphore, #tpu.memory_space<semaphore_mem>>
      %dma_start3A_105 = arith.constant 0 : i32
      %dma_start3A_106 = tpu.memref_slice %arg10[%add3A_23, %dma_start3A_105] : memref<10240x128xf32, #tpu.memory_space<vmem_shared>> -> memref<96x128xf32, #tpu.memory_space<vmem_shared>>
      %dma_start3A_107 = arith.constant 0 : i32
      %dma_start3A_108 = tpu.memref_slice %arg10[%add3A_23, %dma_start3A_107] : memref<10240x128xf32, #tpu.memory_space<vmem_shared>> -> memref<96x128xf32, #tpu.memory_space<vmem_shared>>
      tpu.enqueue_dma source(%arg8 : memref<96x128xf32, #tpu.memory_space<vmem>>) target(%dma_start3A_108 : memref<96x128xf32, #tpu.memory_space<vmem_shared>>) target_semaphore(%run_scoped3A : memref<!tpu.dma_semaphore, #tpu.memory_space<semaphore_mem>>)
      %dma_wait3A = arith.constant 0 : i32
      %dma_wait3A_109 = tpu.memref_slice %arg10[%add3A_23, %dma_wait3A] : memref<10240x128xf32, #tpu.memory_space<vmem_shared>> -> memref<96x128xf32, #tpu.memory_space<vmem_shared>>
      %dma_wait3A_110 = arith.constant 0 : i32
      %dma_wait3A_111 = tpu.memref_slice %arg10[%add3A_23, %dma_wait3A_110] : memref<10240x128xf32, #tpu.memory_space<vmem_shared>> -> memref<96x128xf32, #tpu.memory_space<vmem_shared>>
      tpu.wait_dma2 semaphore(%run_scoped3A : memref<!tpu.dma_semaphore, #tpu.memory_space<semaphore_mem>>) src(%arg8 : memref<96x128xf32, #tpu.memory_space<vmem>>) dst(%dma_wait3A_111 : memref<96x128xf32, #tpu.memory_space<vmem_shared>>)
      tpu.yield
    }) : () -> ()
    %mul3A_24 = arith.constant 640 : i32
    %mul3A_25 = arith.muli %arg1, %mul3A_24 : i32
    %add3A_26 = arith.constant 288 : i32
    %add3A_27 = arith.addi %mul3A_25, %add3A_26 : i32
    "tpu.region"() ({
      %run_scoped3A = tpu.sem_alloc : memref<!tpu.dma_semaphore, #tpu.memory_space<semaphore_mem>>
      %dma_start3A_105 = arith.constant 0 : i32
      %dma_start3A_106 = tpu.memref_slice %arg10[%add3A_27, %dma_start3A_105] : memref<10240x128xf32, #tpu.memory_space<vmem_shared>> -> memref<96x128xf32, #tpu.memory_space<vmem_shared>>
      %dma_start3A_107 = arith.constant 0 : i32
      %dma_start3A_108 = tpu.memref_slice %arg10[%add3A_27, %dma_start3A_107] : memref<10240x128xf32, #tpu.memory_space<vmem_shared>> -> memref<96x128xf32, #tpu.memory_space<vmem_shared>>
      tpu.enqueue_dma source(%arg8 : memref<96x128xf32, #tpu.memory_space<vmem>>) target(%dma_start3A_108 : memref<96x128xf32, #tpu.memory_space<vmem_shared>>) target_semaphore(%run_scoped3A : memref<!tpu.dma_semaphore, #tpu.memory_space<semaphore_mem>>)
      %dma_wait3A = arith.constant 0 : i32
      %dma_wait3A_109 = tpu.memref_slice %arg10[%add3A_27, %dma_wait3A] : memref<10240x128xf32, #tpu.memory_space<vmem_shared>> -> memref<96x128xf32, #tpu.memory_space<vmem_shared>>
      %dma_wait3A_110 = arith.constant 0 : i32
      %dma_wait3A_111 = tpu.memref_slice %arg10[%add3A_27, %dma_wait3A_110] : memref<10240x128xf32, #tpu.memory_space<vmem_shared>> -> memref<96x128xf32, #tpu.memory_space<vmem_shared>>
      tpu.wait_dma2 semaphore(%run_scoped3A : memref<!tpu.dma_semaphore, #tpu.memory_space<semaphore_mem>>) src(%arg8 : memref<96x128xf32, #tpu.memory_space<vmem>>) dst(%dma_wait3A_111 : memref<96x128xf32, #tpu.memory_space<vmem_shared>>)
      tpu.yield
    }) : () -> ()
    %mul3A_28 = arith.constant 640 : i32
    %mul3A_29 = arith.muli %arg1, %mul3A_28 : i32
    %add3A_30 = arith.constant 384 : i32
    %add3A_31 = arith.addi %mul3A_29, %add3A_30 : i32
    "tpu.region"() ({
      %run_scoped3A = tpu.sem_alloc : memref<!tpu.dma_semaphore, #tpu.memory_space<semaphore_mem>>
      %dma_start3A_105 = arith.constant 0 : i32
      %dma_start3A_106 = tpu.memref_slice %arg10[%add3A_31, %dma_start3A_105] : memref<10240x128xf32, #tpu.memory_space<vmem_shared>> -> memref<96x128xf32, #tpu.memory_space<vmem_shared>>
      %dma_start3A_107 = arith.constant 0 : i32
      %dma_start3A_108 = tpu.memref_slice %arg10[%add3A_31, %dma_start3A_107] : memref<10240x128xf32, #tpu.memory_space<vmem_shared>> -> memref<96x128xf32, #tpu.memory_space<vmem_shared>>
      tpu.enqueue_dma source(%arg8 : memref<96x128xf32, #tpu.memory_space<vmem>>) target(%dma_start3A_108 : memref<96x128xf32, #tpu.memory_space<vmem_shared>>) target_semaphore(%run_scoped3A : memref<!tpu.dma_semaphore, #tpu.memory_space<semaphore_mem>>)
      %dma_wait3A = arith.constant 0 : i32
      %dma_wait3A_109 = tpu.memref_slice %arg10[%add3A_31, %dma_wait3A] : memref<10240x128xf32, #tpu.memory_space<vmem_shared>> -> memref<96x128xf32, #tpu.memory_space<vmem_shared>>
      %dma_wait3A_110 = arith.constant 0 : i32
      %dma_wait3A_111 = tpu.memref_slice %arg10[%add3A_31, %dma_wait3A_110] : memref<10240x128xf32, #tpu.memory_space<vmem_shared>> -> memref<96x128xf32, #tpu.memory_space<vmem_shared>>
      tpu.wait_dma2 semaphore(%run_scoped3A : memref<!tpu.dma_semaphore, #tpu.memory_space<semaphore_mem>>) src(%arg8 : memref<96x128xf32, #tpu.memory_space<vmem>>) dst(%dma_wait3A_111 : memref<96x128xf32, #tpu.memory_space<vmem_shared>>)
      tpu.yield
    }) : () -> ()
    %mul3A_32 = arith.constant 640 : i32
    %mul3A_33 = arith.muli %arg1, %mul3A_32 : i32
    %add3A_34 = arith.constant 480 : i32
    %add3A_35 = arith.addi %mul3A_33, %add3A_34 : i32
    "tpu.region"() ({
      %run_scoped3A = tpu.sem_alloc : memref<!tpu.dma_semaphore, #tpu.memory_space<semaphore_mem>>
      %dma_start3A_105 = arith.constant 0 : i32
      %dma_start3A_106 = tpu.memref_slice %arg10[%add3A_35, %dma_start3A_105] : memref<10240x128xf32, #tpu.memory_space<vmem_shared>> -> memref<96x128xf32, #tpu.memory_space<vmem_shared>>
      %dma_start3A_107 = arith.constant 0 : i32
      %dma_start3A_108 = tpu.memref_slice %arg10[%add3A_35, %dma_start3A_107] : memref<10240x128xf32, #tpu.memory_space<vmem_shared>> -> memref<96x128xf32, #tpu.memory_space<vmem_shared>>
      tpu.enqueue_dma source(%arg8 : memref<96x128xf32, #tpu.memory_space<vmem>>) target(%dma_start3A_108 : memref<96x128xf32, #tpu.memory_space<vmem_shared>>) target_semaphore(%run_scoped3A : memref<!tpu.dma_semaphore, #tpu.memory_space<semaphore_mem>>)
      %dma_wait3A = arith.constant 0 : i32
      %dma_wait3A_109 = tpu.memref_slice %arg10[%add3A_35, %dma_wait3A] : memref<10240x128xf32, #tpu.memory_space<vmem_shared>> -> memref<96x128xf32, #tpu.memory_space<vmem_shared>>
      %dma_wait3A_110 = arith.constant 0 : i32
      %dma_wait3A_111 = tpu.memref_slice %arg10[%add3A_35, %dma_wait3A_110] : memref<10240x128xf32, #tpu.memory_space<vmem_shared>> -> memref<96x128xf32, #tpu.memory_space<vmem_shared>>
      tpu.wait_dma2 semaphore(%run_scoped3A : memref<!tpu.dma_semaphore, #tpu.memory_space<semaphore_mem>>) src(%arg8 : memref<96x128xf32, #tpu.memory_space<vmem>>) dst(%dma_wait3A_111 : memref<96x128xf32, #tpu.memory_space<vmem_shared>>)
      tpu.yield
    }) : () -> ()
    %mul3A_36 = arith.constant 640 : i32
    %mul3A_37 = arith.muli %arg1, %mul3A_36 : i32
    %add3A_38 = arith.constant 576 : i32
    %add3A_39 = arith.addi %mul3A_37, %add3A_38 : i32
    "tpu.region"() ({
      %run_scoped3A = tpu.sem_alloc : memref<!tpu.dma_semaphore, #tpu.memory_space<semaphore_mem>>
      %dma_start3A_105 = arith.constant 0 : i32
      %dma_start3A_106 = arith.constant 0 : i32
      %dma_start3A_107 = tpu.memref_slice %arg8[%dma_start3A_105, %dma_start3A_106] : memref<96x128xf32, #tpu.memory_space<vmem>> -> memref<64x128xf32, #tpu.memory_space<vmem>>
      %dma_start3A_108 = arith.constant 0 : i32
      %dma_start3A_109 = tpu.memref_slice %arg10[%add3A_39, %dma_start3A_108] : memref<10240x128xf32, #tpu.memory_space<vmem_shared>> -> memref<64x128xf32, #tpu.memory_space<vmem_shared>>
      %dma_start3A_110 = arith.constant 0 : i32
      %dma_start3A_111 = tpu.memref_slice %arg10[%add3A_39, %dma_start3A_110] : memref<10240x128xf32, #tpu.memory_space<vmem_shared>> -> memref<64x128xf32, #tpu.memory_space<vmem_shared>>
      %dma_start3A_112 = arith.constant 0 : i32
      %dma_start3A_113 = arith.constant 0 : i32
      %dma_start3A_114 = tpu.memref_slice %arg8[%dma_start3A_112, %dma_start3A_113] : memref<96x128xf32, #tpu.memory_space<vmem>> -> memref<64x128xf32, #tpu.memory_space<vmem>>
      tpu.enqueue_dma source(%dma_start3A_114 : memref<64x128xf32, #tpu.memory_space<vmem>>) target(%dma_start3A_111 : memref<64x128xf32, #tpu.memory_space<vmem_shared>>) target_semaphore(%run_scoped3A : memref<!tpu.dma_semaphore, #tpu.memory_space<semaphore_mem>>)
      %dma_wait3A = arith.constant 0 : i32
      %dma_wait3A_115 = arith.constant 0 : i32
      %dma_wait3A_116 = tpu.memref_slice %arg8[%dma_wait3A, %dma_wait3A_115] : memref<96x128xf32, #tpu.memory_space<vmem>> -> memref<64x128xf32, #tpu.memory_space<vmem>>
      %dma_wait3A_117 = arith.constant 0 : i32
      %dma_wait3A_118 = tpu.memref_slice %arg10[%add3A_39, %dma_wait3A_117] : memref<10240x128xf32, #tpu.memory_space<vmem_shared>> -> memref<64x128xf32, #tpu.memory_space<vmem_shared>>
      %dma_wait3A_119 = arith.constant 0 : i32
      %dma_wait3A_120 = tpu.memref_slice %arg10[%add3A_39, %dma_wait3A_119] : memref<10240x128xf32, #tpu.memory_space<vmem_shared>> -> memref<64x128xf32, #tpu.memory_space<vmem_shared>>
      %dma_wait3A_121 = arith.constant 0 : i32
      %dma_wait3A_122 = arith.constant 0 : i32
      %dma_wait3A_123 = tpu.memref_slice %arg8[%dma_wait3A_121, %dma_wait3A_122] : memref<96x128xf32, #tpu.memory_space<vmem>> -> memref<64x128xf32, #tpu.memory_space<vmem>>
      tpu.wait_dma2 semaphore(%run_scoped3A : memref<!tpu.dma_semaphore, #tpu.memory_space<semaphore_mem>>) src(%dma_wait3A_123 : memref<64x128xf32, #tpu.memory_space<vmem>>) dst(%dma_wait3A_120 : memref<64x128xf32, #tpu.memory_space<vmem_shared>>)
      tpu.yield
    }) : () -> ()
    %rem3A = arith.constant 0 : i32
    %rem3A_40 = arith.constant 4 : i32
    %rem3A_41 = arith.remsi %rem3A, %rem3A_40 : i32
    %scan3A_42 = arith.constant 0 : i32
    %scan3A_43 = arith.constant 0 : i32
    %scan3A_44 = arith.constant 0 : i32
    %scan3A_45 = arith.constant 6 : i32
    %scan3A_46 = arith.addi %scan3A_44, %scan3A_45 : i32
    %scan3A_47 = arith.constant 1 : i32
    scf.for %scan3A_105 = %scan3A_44 to %scan3A_46 step %scan3A_47  : i32 {
      %mul3A_106 = arith.constant 16 : i32
      %mul3A_107 = arith.muli %scan3A_105, %mul3A_106 : i32
      %get3A = arith.index_cast %scan3A_43 : i32 to index
      %get3A_108 = arith.index_cast %mul3A_107 : i32 to index
      %get3A_109 = tpu.vector_load %arg5[%get3A, %get3A_108] {strides = array<i32>} : memref<120x96xi32, #tpu.memory_space<vmem>>, vector<16xi32>,
      %shift_right_logical3A = arith.constant 14 : i32
      %shift_right_logical3A_110 = vector.broadcast %shift_right_logical3A : i32 to vector<16xi32>
      %shift_right_logical3A_111 = arith.shrui %get3A_109, %shift_right_logical3A_110 : vector<16xi32>
      %swap3A = arith.index_cast %rem3A_41 : i32 to index
      %swap3A_112 = arith.index_cast %mul3A_107 : i32 to index
      %swap3A_113 = tpu.vector_load %arg7[%swap3A, %swap3A_112] {strides = array<i32>} : memref<4x96xi32, #tpu.memory_space<vmem>>, vector<16xi32>,
      tpu.vector_store %arg7[%swap3A, %swap3A_112], %shift_right_logical3A_111 {strides = array<i32>} : memref<4x96xi32, #tpu.memory_space<vmem>>, vector<16xi32>,
      %and3A_114 = arith.constant 16383 : i32
      %and3A_115 = vector.broadcast %and3A_114 : i32 to vector<16xi32>
      %and3A_116 = arith.andi %get3A_109, %and3A_115 : vector<16xi32>
      %swap3A_117 = arith.index_cast %rem3A_41 : i32 to index
      %swap3A_118 = arith.index_cast %mul3A_107 : i32 to index
      %swap3A_119 = tpu.vector_load %arg6[%swap3A_117, %swap3A_118] {strides = array<i32>} : memref<4x96xi32, #tpu.memory_space<vmem>>, vector<16xi32>,
      tpu.vector_store %arg6[%swap3A_117, %swap3A_118], %and3A_116 {strides = array<i32>} : memref<4x96xi32, #tpu.memory_space<vmem>>, vector<16xi32>,
    }
    %scan3A_48 = arith.constant 6 : i32
    %rem3A_49 = arith.constant 1 : i32
    %rem3A_50 = arith.constant 4 : i32
    %rem3A_51 = arith.remsi %rem3A_49, %rem3A_50 : i32
    %scan3A_52 = arith.constant 0 : i32
    %scan3A_53 = arith.constant 1 : i32
    %scan3A_54 = arith.constant 0 : i32
    %scan3A_55 = arith.constant 6 : i32
    %scan3A_56 = arith.addi %scan3A_54, %scan3A_55 : i32
    %scan3A_57 = arith.constant 1 : i32
    scf.for %scan3A_105 = %scan3A_54 to %scan3A_56 step %scan3A_57  : i32 {
      %mul3A_106 = arith.constant 16 : i32
      %mul3A_107 = arith.muli %scan3A_105, %mul3A_106 : i32
      %get3A = arith.index_cast %scan3A_53 : i32 to index
      %get3A_108 = arith.index_cast %mul3A_107 : i32 to index
      %get3A_109 = tpu.vector_load %arg5[%get3A, %get3A_108] {strides = array<i32>} : memref<120x96xi32, #tpu.memory_space<vmem>>, vector<16xi32>,
      %shift_right_logical3A = arith.constant 14 : i32
      %shift_right_logical3A_110 = vector.broadcast %shift_right_logical3A : i32 to vector<16xi32>
      %shift_right_logical3A_111 = arith.shrui %get3A_109, %shift_right_logical3A_110 : vector<16xi32>
      %swap3A = arith.index_cast %rem3A_51 : i32 to index
      %swap3A_112 = arith.index_cast %mul3A_107 : i32 to index
      %swap3A_113 = tpu.vector_load %arg7[%swap3A, %swap3A_112] {strides = array<i32>} : memref<4x96xi32, #tpu.memory_space<vmem>>, vector<16xi32>,
      tpu.vector_store %arg7[%swap3A, %swap3A_112], %shift_right_logical3A_111 {strides = array<i32>} : memref<4x96xi32, #tpu.memory_space<vmem>>, vector<16xi32>,
      %and3A_114 = arith.constant 16383 : i32
      %and3A_115 = vector.broadcast %and3A_114 : i32 to vector<16xi32>
      %and3A_116 = arith.andi %get3A_109, %and3A_115 : vector<16xi32>
      %swap3A_117 = arith.index_cast %rem3A_51 : i32 to index
      %swap3A_118 = arith.index_cast %mul3A_107 : i32 to index
      %swap3A_119 = tpu.vector_load %arg6[%swap3A_117, %swap3A_118] {strides = array<i32>} : memref<4x96xi32, #tpu.memory_space<vmem>>, vector<16xi32>,
      tpu.vector_store %arg6[%swap3A_117, %swap3A_118], %and3A_116 {strides = array<i32>} : memref<4x96xi32, #tpu.memory_space<vmem>>, vector<16xi32>,
    }
    %scan3A_58 = arith.constant 6 : i32
    %dma_start3A = arith.constant 0 : i32
    %dma_start3A_59 = arith.constant 0 : i32
    %dma_start3A_60 = tpu.memref_slice %arg7[%dma_start3A, %dma_start3A_59] : memref<4x96xi32, #tpu.memory_space<vmem>> -> memref<1x96xi32, #tpu.memory_space<vmem>>
    %dma_start3A_61 = tpu.memref_squeeze %dma_start3A_60 : memref<1x96xi32, #tpu.memory_space<vmem>> -> memref<96xi32, #tpu.memory_space<vmem>>
    %dma_start3A_62 = arith.constant 0 : i32
    %dma_start3A_63 = arith.constant 0 : i32
    %dma_start3A_64 = tpu.memref_slice %arg3[%dma_start3A_62, %dma_start3A_63] : memref<10000x128xf32, #tpu.memory_space<hbm>> -> memref<10000x128xf32, #tpu.memory_space<hbm>>
    tpu.enqueue_indirect_dma source(%dma_start3A_64 : memref<10000x128xf32, #tpu.memory_space<hbm>>) target(%arg8 : memref<96x128xf32, #tpu.memory_space<vmem>>) offsets(%dma_start3A_61 : memref<96xi32, #tpu.memory_space<vmem>>) semaphore(%arg11 : memref<!tpu.dma_semaphore, #tpu.memory_space<semaphore_mem>>)
    %dma_start3A_65 = arith.constant 1 : i32
    %dma_start3A_66 = arith.constant 0 : i32
    %dma_start3A_67 = tpu.memref_slice %arg7[%dma_start3A_65, %dma_start3A_66] : memref<4x96xi32, #tpu.memory_space<vmem>> -> memref<1x96xi32, #tpu.memory_space<vmem>>
    %dma_start3A_68 = tpu.memref_squeeze %dma_start3A_67 : memref<1x96xi32, #tpu.memory_space<vmem>> -> memref<96xi32, #tpu.memory_space<vmem>>
    %dma_start3A_69 = arith.constant 0 : i32
    %dma_start3A_70 = arith.constant 0 : i32
    %dma_start3A_71 = tpu.memref_slice %arg3[%dma_start3A_69, %dma_start3A_70] : memref<10000x128xf32, #tpu.memory_space<hbm>> -> memref<10000x128xf32, #tpu.memory_space<hbm>>
    tpu.enqueue_indirect_dma source(%dma_start3A_71 : memref<10000x128xf32, #tpu.memory_space<hbm>>) target(%arg9 : memref<96x128xf32, #tpu.memory_space<vmem>>) offsets(%dma_start3A_68 : memref<96xi32, #tpu.memory_space<vmem>>) semaphore(%arg12 : memref<!tpu.dma_semaphore, #tpu.memory_space<semaphore_mem>>)
    %barrier3A = arith.constant 0 : index
    tpu.barrier barrier_id(%barrier3A)
    %jit3A_72 = arith.constant 2 : i32
    %div3A = arith.divsi %select_n3A, %jit3A_72 : i32
    %sign3A = arith.constant 0 : i32
    %sign3A_73 = arith.cmpi sgt, %select_n3A, %sign3A : i32
    %sign3A_74 = arith.extui %sign3A_73 : i1 to i32
    %sign3A_75 = arith.constant 0 : i32
    %sign3A_76 = arith.cmpi slt, %select_n3A, %sign3A_75 : i32
    %sign3A_77 = arith.extui %sign3A_76 : i1 to i32
    %sign3A_78 = arith.subi %sign3A_74, %sign3A_77 : i32
    %sign3A_79 = arith.constant 0 : i32
    %sign3A_80 = arith.cmpi sgt, %jit3A_72, %sign3A_79 : i32
    %sign3A_81 = arith.extui %sign3A_80 : i1 to i32
    %sign3A_82 = arith.constant 0 : i32
    %sign3A_83 = arith.cmpi slt, %jit3A_72, %sign3A_82 : i32
    %sign3A_84 = arith.extui %sign3A_83 : i1 to i32
    %sign3A_85 = arith.subi %sign3A_81, %sign3A_84 : i32
    %ne3A = arith.cmpi ne, %sign3A_78, %sign3A_85 : i32
    %rem3A_86 = arith.remsi %select_n3A, %jit3A_72 : i32
    %ne3A_87 = arith.constant 0 : i32
    %ne3A_88 = arith.cmpi ne, %rem3A_86, %ne3A_87 : i32
    %and3A = arith.andi %ne3A, %ne3A_88 : i1
    %sub3A = arith.constant 1 : i32
    %sub3A_89 = arith.subi %div3A, %sub3A : i32
    %select_n3A_90 = arith.select %and3A, %sub3A_89, %div3A : i32
    %while3A = arith.constant 0 : i32
    %while3A_91 = arith.constant 0 : i32
    %while3A_92 = arith.subi %select_n3A_90, %while3A_91 : i32
    %while3A_93 = arith.addi %while3A_91, %while3A_92 : i32
    %while3A_94 = arith.constant 1 : i32
    %while3A_95 = arith.divsi %while3A_92, %while3A_94 : i32
    %while3A_96 = arith.muli %while3A_95, %while3A_94 : i32
    %while3A_97 = arith.addi %while3A_91, %while3A_96 : i32
    %while3A_98 = arith.constant 1 : i32
    scf.for %while3A_105 = %while3A_91 to %while3A_97 step %while3A_98  : i32 {
      %mul3A_106 = arith.constant 2 : i32
      %mul3A_107 = arith.muli %while3A_105, %mul3A_106 : i32
      %add3A_108 = arith.constant 1 : i32
      %add3A_109 = arith.addi %mul3A_107, %add3A_108 : i32
      %rem3A_110 = arith.constant 4 : i32
      %rem3A_111 = arith.remsi %mul3A_107, %rem3A_110 : i32
      %rem3A_112 = arith.constant 4 : i32
      %rem3A_113 = arith.remsi %add3A_109, %rem3A_112 : i32
      %dma_wait3A = arith.constant 0 : i32
      %dma_wait3A_114 = tpu.memref_slice %arg7[%rem3A_111, %dma_wait3A] : memref<4x96xi32, #tpu.memory_space<vmem>> -> memref<1x96xi32, #tpu.memory_space<vmem>>
      %dma_wait3A_115 = tpu.memref_squeeze %dma_wait3A_114 : memref<1x96xi32, #tpu.memory_space<vmem>> -> memref<96xi32, #tpu.memory_space<vmem>>
      %dma_wait3A_116 = arith.constant 0 : i32
      %dma_wait3A_117 = arith.constant 0 : i32
      %dma_wait3A_118 = tpu.memref_slice %arg3[%dma_wait3A_116, %dma_wait3A_117] : memref<10000x128xf32, #tpu.memory_space<hbm>> -> memref<10000x128xf32, #tpu.memory_space<hbm>>
      tpu.wait_indirect_dma semaphore(%arg11 : memref<!tpu.dma_semaphore, #tpu.memory_space<semaphore_mem>>) src(%dma_wait3A_118 : memref<10000x128xf32, #tpu.memory_space<hbm>>) dst(%arg8 : memref<96x128xf32, #tpu.memory_space<vmem>>)
      %dma_start3A_119 = arith.constant 0 : i32
      %dma_start3A_120 = tpu.memref_slice %arg6[%rem3A_111, %dma_start3A_119] : memref<4x96xi32, #tpu.memory_space<vmem>> -> memref<1x96xi32, #tpu.memory_space<vmem>>
      %dma_start3A_121 = tpu.memref_squeeze %dma_start3A_120 : memref<1x96xi32, #tpu.memory_space<vmem>> -> memref<96xi32, #tpu.memory_space<vmem>>
      %dma_start3A_122 = arith.constant 0 : i32
      %dma_start3A_123 = arith.constant 0 : i32
      %dma_start3A_124 = tpu.memref_slice %arg10[%dma_start3A_122, %dma_start3A_123] : memref<10240x128xf32, #tpu.memory_space<vmem_shared>> -> memref<10240x128xf32, #tpu.memory_space<vmem_shared>>
      tpu.enqueue_indirect_dma source(%arg8 : memref<96x128xf32, #tpu.memory_space<vmem>>) target(%dma_start3A_124 : memref<10240x128xf32, #tpu.memory_space<vmem_shared>>) offsets(%dma_start3A_121 : memref<96xi32, #tpu.memory_space<vmem>>) semaphore(%arg13 : memref<!tpu.dma_semaphore, #tpu.memory_space<semaphore_mem>>) {add = true}
      %dma_wait3A_125 = arith.constant 0 : i32
      %dma_wait3A_126 = tpu.memref_slice %arg7[%rem3A_113, %dma_wait3A_125] : memref<4x96xi32, #tpu.memory_space<vmem>> -> memref<1x96xi32, #tpu.memory_space<vmem>>
      %dma_wait3A_127 = tpu.memref_squeeze %dma_wait3A_126 : memref<1x96xi32, #tpu.memory_space<vmem>> -> memref<96xi32, #tpu.memory_space<vmem>>
      %dma_wait3A_128 = arith.constant 0 : i32
      %dma_wait3A_129 = arith.constant 0 : i32
      %dma_wait3A_130 = tpu.memref_slice %arg3[%dma_wait3A_128, %dma_wait3A_129] : memref<10000x128xf32, #tpu.memory_space<hbm>> -> memref<10000x128xf32, #tpu.memory_space<hbm>>
      tpu.wait_indirect_dma semaphore(%arg12 : memref<!tpu.dma_semaphore, #tpu.memory_space<semaphore_mem>>) src(%dma_wait3A_130 : memref<10000x128xf32, #tpu.memory_space<hbm>>) dst(%arg9 : memref<96x128xf32, #tpu.memory_space<vmem>>)
      %dma_start3A_131 = arith.constant 0 : i32
      %dma_start3A_132 = tpu.memref_slice %arg6[%rem3A_113, %dma_start3A_131] : memref<4x96xi32, #tpu.memory_space<vmem>> -> memref<1x96xi32, #tpu.memory_space<vmem>>
      %dma_start3A_133 = tpu.memref_squeeze %dma_start3A_132 : memref<1x96xi32, #tpu.memory_space<vmem>> -> memref<96xi32, #tpu.memory_space<vmem>>
      %dma_start3A_134 = arith.constant 0 : i32
      %dma_start3A_135 = arith.constant 0 : i32
      %dma_start3A_136 = tpu.memref_slice %arg10[%dma_start3A_134, %dma_start3A_135] : memref<10240x128xf32, #tpu.memory_space<vmem_shared>> -> memref<10240x128xf32, #tpu.memory_space<vmem_shared>>
      tpu.enqueue_indirect_dma source(%arg9 : memref<96x128xf32, #tpu.memory_space<vmem>>) target(%dma_start3A_136 : memref<10240x128xf32, #tpu.memory_space<vmem_shared>>) offsets(%dma_start3A_133 : memref<96xi32, #tpu.memory_space<vmem>>) semaphore(%arg14 : memref<!tpu.dma_semaphore, #tpu.memory_space<semaphore_mem>>) {add = true}
      %dma_wait3A_137 = arith.constant 0 : i32
      %dma_wait3A_138 = tpu.memref_slice %arg6[%rem3A_111, %dma_wait3A_137] : memref<4x96xi32, #tpu.memory_space<vmem>> -> memref<1x96xi32, #tpu.memory_space<vmem>>
      %dma_wait3A_139 = tpu.memref_squeeze %dma_wait3A_138 : memref<1x96xi32, #tpu.memory_space<vmem>> -> memref<96xi32, #tpu.memory_space<vmem>>
      %dma_wait3A_140 = arith.constant 0 : i32
      %dma_wait3A_141 = arith.constant 0 : i32
      %dma_wait3A_142 = tpu.memref_slice %arg10[%dma_wait3A_140, %dma_wait3A_141] : memref<10240x128xf32, #tpu.memory_space<vmem_shared>> -> memref<10240x128xf32, #tpu.memory_space<vmem_shared>>
      tpu.wait_indirect_dma semaphore(%arg13 : memref<!tpu.dma_semaphore, #tpu.memory_space<semaphore_mem>>) src(%arg8 : memref<96x128xf32, #tpu.memory_space<vmem>>) dst(%dma_wait3A_142 : memref<10240x128xf32, #tpu.memory_space<vmem_shared>>)
      %add3A_143 = arith.constant 2 : i32
      %add3A_144 = arith.addi %mul3A_107, %add3A_143 : i32
      %lt3A = arith.cmpi slt, %add3A_144, %select_n3A : i32
      %convert_element_type3A_145 = arith.extui %lt3A : i1 to i32
      %cond3A_146 = arith.constant 0 : i32
      %cond3A_147 = arith.cmpi ne, %convert_element_type3A_145, %cond3A_146 : i32
      scf.if %cond3A_147 {
        %add3A_160 = arith.constant 2 : i32
        %add3A_161 = arith.addi %mul3A_107, %add3A_160 : i32
        %rem3A_162 = arith.constant 4 : i32
        %rem3A_163 = arith.remsi %add3A_161, %rem3A_162 : i32
        %scan3A_164 = arith.constant 0 : i32
        %scan3A_165 = arith.constant 0 : i32
        %scan3A_166 = arith.constant 6 : i32
        %scan3A_167 = arith.addi %scan3A_165, %scan3A_166 : i32
        %scan3A_168 = arith.constant 1 : i32
        scf.for %scan3A_180 = %scan3A_165 to %scan3A_167 step %scan3A_168  : i32 {
          %mul3A_181 = arith.constant 16 : i32
          %mul3A_182 = arith.muli %scan3A_180, %mul3A_181 : i32
          %get3A = arith.index_cast %add3A_161 : i32 to index
          %get3A_183 = arith.index_cast %mul3A_182 : i32 to index
          %get3A_184 = tpu.vector_load %arg5[%get3A, %get3A_183] {strides = array<i32>} : memref<120x96xi32, #tpu.memory_space<vmem>>, vector<16xi32>,
          %shift_right_logical3A = arith.constant 14 : i32
          %shift_right_logical3A_185 = vector.broadcast %shift_right_logical3A : i32 to vector<16xi32>
          %shift_right_logical3A_186 = arith.shrui %get3A_184, %shift_right_logical3A_185 : vector<16xi32>
          %swap3A = arith.index_cast %rem3A_163 : i32 to index
          %swap3A_187 = arith.index_cast %mul3A_182 : i32 to index
          %swap3A_188 = tpu.vector_load %arg7[%swap3A, %swap3A_187] {strides = array<i32>} : memref<4x96xi32, #tpu.memory_space<vmem>>, vector<16xi32>,
          tpu.vector_store %arg7[%swap3A, %swap3A_187], %shift_right_logical3A_186 {strides = array<i32>} : memref<4x96xi32, #tpu.memory_space<vmem>>, vector<16xi32>,
          %and3A_189 = arith.constant 16383 : i32
          %and3A_190 = vector.broadcast %and3A_189 : i32 to vector<16xi32>
          %and3A_191 = arith.andi %get3A_184, %and3A_190 : vector<16xi32>
          %swap3A_192 = arith.index_cast %rem3A_163 : i32 to index
          %swap3A_193 = arith.index_cast %mul3A_182 : i32 to index
          %swap3A_194 = tpu.vector_load %arg6[%swap3A_192, %swap3A_193] {strides = array<i32>} : memref<4x96xi32, #tpu.memory_space<vmem>>, vector<16xi32>,
          tpu.vector_store %arg6[%swap3A_192, %swap3A_193], %and3A_191 {strides = array<i32>} : memref<4x96xi32, #tpu.memory_space<vmem>>, vector<16xi32>,
        }
        %scan3A_169 = arith.constant 6 : i32
        %add3A_170 = arith.constant 2 : i32
        %add3A_171 = arith.addi %mul3A_107, %add3A_170 : i32
        %rem3A_172 = arith.constant 4 : i32
        %rem3A_173 = arith.remsi %add3A_171, %rem3A_172 : i32
        %dma_start3A_174 = arith.constant 0 : i32
        %dma_start3A_175 = tpu.memref_slice %arg7[%rem3A_173, %dma_start3A_174] : memref<4x96xi32, #tpu.memory_space<vmem>> -> memref<1x96xi32, #tpu.memory_space<vmem>>
        %dma_start3A_176 = tpu.memref_squeeze %dma_start3A_175 : memref<1x96xi32, #tpu.memory_space<vmem>> -> memref<96xi32, #tpu.memory_space<vmem>>
        %dma_start3A_177 = arith.constant 0 : i32
        %dma_start3A_178 = arith.constant 0 : i32
        %dma_start3A_179 = tpu.memref_slice %arg3[%dma_start3A_177, %dma_start3A_178] : memref<10000x128xf32, #tpu.memory_space<hbm>> -> memref<10000x128xf32, #tpu.memory_space<hbm>>
        tpu.enqueue_indirect_dma source(%dma_start3A_179 : memref<10000x128xf32, #tpu.memory_space<hbm>>) target(%arg8 : memref<96x128xf32, #tpu.memory_space<vmem>>) offsets(%dma_start3A_176 : memref<96xi32, #tpu.memory_space<vmem>>) semaphore(%arg11 : memref<!tpu.dma_semaphore, #tpu.memory_space<semaphore_mem>>)
      } else {
      }
      %dma_wait3A_148 = arith.constant 0 : i32
      %dma_wait3A_149 = tpu.memref_slice %arg6[%rem3A_113, %dma_wait3A_148] : memref<4x96xi32, #tpu.memory_space<vmem>> -> memref<1x96xi32, #tpu.memory_space<vmem>>
      %dma_wait3A_150 = tpu.memref_squeeze %dma_wait3A_149 : memref<1x96xi32, #tpu.memory_space<vmem>> -> memref<96xi32, #tpu.memory_space<vmem>>
      %dma_wait3A_151 = arith.constant 0 : i32
      %dma_wait3A_152 = arith.constant 0 : i32
      %dma_wait3A_153 = tpu.memref_slice %arg10[%dma_wait3A_151, %dma_wait3A_152] : memref<10240x128xf32, #tpu.memory_space<vmem_shared>> -> memref<10240x128xf32, #tpu.memory_space<vmem_shared>>
      tpu.wait_indirect_dma semaphore(%arg14 : memref<!tpu.dma_semaphore, #tpu.memory_space<semaphore_mem>>) src(%arg9 : memref<96x128xf32, #tpu.memory_space<vmem>>) dst(%dma_wait3A_153 : memref<10240x128xf32, #tpu.memory_space<vmem_shared>>)
      %add3A_154 = arith.constant 2 : i32
      %add3A_155 = arith.addi %add3A_109, %add3A_154 : i32
      %lt3A_156 = arith.cmpi slt, %add3A_155, %select_n3A : i32
      %convert_element_type3A_157 = arith.extui %lt3A_156 : i1 to i32
      %cond3A_158 = arith.constant 0 : i32
      %cond3A_159 = arith.cmpi ne, %convert_element_type3A_157, %cond3A_158 : i32
      scf.if %cond3A_159 {
        %add3A_160 = arith.constant 2 : i32
        %add3A_161 = arith.addi %add3A_109, %add3A_160 : i32
        %rem3A_162 = arith.constant 4 : i32
        %rem3A_163 = arith.remsi %add3A_161, %rem3A_162 : i32
        %scan3A_164 = arith.constant 0 : i32
        %scan3A_165 = arith.constant 0 : i32
        %scan3A_166 = arith.constant 6 : i32
        %scan3A_167 = arith.addi %scan3A_165, %scan3A_166 : i32
        %scan3A_168 = arith.constant 1 : i32
        scf.for %scan3A_180 = %scan3A_165 to %scan3A_167 step %scan3A_168  : i32 {
          %mul3A_181 = arith.constant 16 : i32
          %mul3A_182 = arith.muli %scan3A_180, %mul3A_181 : i32
          %get3A = arith.index_cast %add3A_161 : i32 to index
          %get3A_183 = arith.index_cast %mul3A_182 : i32 to index
          %get3A_184 = tpu.vector_load %arg5[%get3A, %get3A_183] {strides = array<i32>} : memref<120x96xi32, #tpu.memory_space<vmem>>, vector<16xi32>,
          %shift_right_logical3A = arith.constant 14 : i32
          %shift_right_logical3A_185 = vector.broadcast %shift_right_logical3A : i32 to vector<16xi32>
          %shift_right_logical3A_186 = arith.shrui %get3A_184, %shift_right_logical3A_185 : vector<16xi32>
          %swap3A = arith.index_cast %rem3A_163 : i32 to index
          %swap3A_187 = arith.index_cast %mul3A_182 : i32 to index
          %swap3A_188 = tpu.vector_load %arg7[%swap3A, %swap3A_187] {strides = array<i32>} : memref<4x96xi32, #tpu.memory_space<vmem>>, vector<16xi32>,
          tpu.vector_store %arg7[%swap3A, %swap3A_187], %shift_right_logical3A_186 {strides = array<i32>} : memref<4x96xi32, #tpu.memory_space<vmem>>, vector<16xi32>,
          %and3A_189 = arith.constant 16383 : i32
          %and3A_190 = vector.broadcast %and3A_189 : i32 to vector<16xi32>
          %and3A_191 = arith.andi %get3A_184, %and3A_190 : vector<16xi32>
          %swap3A_192 = arith.index_cast %rem3A_163 : i32 to index
          %swap3A_193 = arith.index_cast %mul3A_182 : i32 to index
          %swap3A_194 = tpu.vector_load %arg6[%swap3A_192, %swap3A_193] {strides = array<i32>} : memref<4x96xi32, #tpu.memory_space<vmem>>, vector<16xi32>,
          tpu.vector_store %arg6[%swap3A_192, %swap3A_193], %and3A_191 {strides = array<i32>} : memref<4x96xi32, #tpu.memory_space<vmem>>, vector<16xi32>,
        }
        %scan3A_169 = arith.constant 6 : i32
        %add3A_170 = arith.constant 2 : i32
        %add3A_171 = arith.addi %add3A_109, %add3A_170 : i32
        %rem3A_172 = arith.constant 4 : i32
        %rem3A_173 = arith.remsi %add3A_171, %rem3A_172 : i32
        %dma_start3A_174 = arith.constant 0 : i32
        %dma_start3A_175 = tpu.memref_slice %arg7[%rem3A_173, %dma_start3A_174] : memref<4x96xi32, #tpu.memory_space<vmem>> -> memref<1x96xi32, #tpu.memory_space<vmem>>
        %dma_start3A_176 = tpu.memref_squeeze %dma_start3A_175 : memref<1x96xi32, #tpu.memory_space<vmem>> -> memref<96xi32, #tpu.memory_space<vmem>>
        %dma_start3A_177 = arith.constant 0 : i32
        %dma_start3A_178 = arith.constant 0 : i32
        %dma_start3A_179 = tpu.memref_slice %arg3[%dma_start3A_177, %dma_start3A_178] : memref<10000x128xf32, #tpu.memory_space<hbm>> -> memref<10000x128xf32, #tpu.memory_space<hbm>>
        tpu.enqueue_indirect_dma source(%dma_start3A_179 : memref<10000x128xf32, #tpu.memory_space<hbm>>) target(%arg9 : memref<96x128xf32, #tpu.memory_space<vmem>>) offsets(%dma_start3A_176 : memref<96xi32, #tpu.memory_space<vmem>>) semaphore(%arg12 : memref<!tpu.dma_semaphore, #tpu.memory_space<semaphore_mem>>)
      } else {
      }
    }
    %while3A_99 = arith.constant 1 : i32
    scf.for %while3A_105 = %while3A_97 to %while3A_93 step %while3A_99  : i32 {
      %mul3A_106 = arith.constant 2 : i32
      %mul3A_107 = arith.muli %while3A_105, %mul3A_106 : i32
      %add3A_108 = arith.constant 1 : i32
      %add3A_109 = arith.addi %mul3A_107, %add3A_108 : i32
      %rem3A_110 = arith.constant 4 : i32
      %rem3A_111 = arith.remsi %mul3A_107, %rem3A_110 : i32
      %rem3A_112 = arith.constant 4 : i32
      %rem3A_113 = arith.remsi %add3A_109, %rem3A_112 : i32
      %dma_wait3A = arith.constant 0 : i32
      %dma_wait3A_114 = tpu.memref_slice %arg7[%rem3A_111, %dma_wait3A] : memref<4x96xi32, #tpu.memory_space<vmem>> -> memref<1x96xi32, #tpu.memory_space<vmem>>
      %dma_wait3A_115 = tpu.memref_squeeze %dma_wait3A_114 : memref<1x96xi32, #tpu.memory_space<vmem>> -> memref<96xi32, #tpu.memory_space<vmem>>
      %dma_wait3A_116 = arith.constant 0 : i32
      %dma_wait3A_117 = arith.constant 0 : i32
      %dma_wait3A_118 = tpu.memref_slice %arg3[%dma_wait3A_116, %dma_wait3A_117] : memref<10000x128xf32, #tpu.memory_space<hbm>> -> memref<10000x128xf32, #tpu.memory_space<hbm>>
      tpu.wait_indirect_dma semaphore(%arg11 : memref<!tpu.dma_semaphore, #tpu.memory_space<semaphore_mem>>) src(%dma_wait3A_118 : memref<10000x128xf32, #tpu.memory_space<hbm>>) dst(%arg8 : memref<96x128xf32, #tpu.memory_space<vmem>>)
      %dma_start3A_119 = arith.constant 0 : i32
      %dma_start3A_120 = tpu.memref_slice %arg6[%rem3A_111, %dma_start3A_119] : memref<4x96xi32, #tpu.memory_space<vmem>> -> memref<1x96xi32, #tpu.memory_space<vmem>>
      %dma_start3A_121 = tpu.memref_squeeze %dma_start3A_120 : memref<1x96xi32, #tpu.memory_space<vmem>> -> memref<96xi32, #tpu.memory_space<vmem>>
      %dma_start3A_122 = arith.constant 0 : i32
      %dma_start3A_123 = arith.constant 0 : i32
      %dma_start3A_124 = tpu.memref_slice %arg10[%dma_start3A_122, %dma_start3A_123] : memref<10240x128xf32, #tpu.memory_space<vmem_shared>> -> memref<10240x128xf32, #tpu.memory_space<vmem_shared>>
      tpu.enqueue_indirect_dma source(%arg8 : memref<96x128xf32, #tpu.memory_space<vmem>>) target(%dma_start3A_124 : memref<10240x128xf32, #tpu.memory_space<vmem_shared>>) offsets(%dma_start3A_121 : memref<96xi32, #tpu.memory_space<vmem>>) semaphore(%arg13 : memref<!tpu.dma_semaphore, #tpu.memory_space<semaphore_mem>>) {add = true}
      %dma_wait3A_125 = arith.constant 0 : i32
      %dma_wait3A_126 = tpu.memref_slice %arg7[%rem3A_113, %dma_wait3A_125] : memref<4x96xi32, #tpu.memory_space<vmem>> -> memref<1x96xi32, #tpu.memory_space<vmem>>
      %dma_wait3A_127 = tpu.memref_squeeze %dma_wait3A_126 : memref<1x96xi32, #tpu.memory_space<vmem>> -> memref<96xi32, #tpu.memory_space<vmem>>
      %dma_wait3A_128 = arith.constant 0 : i32
      %dma_wait3A_129 = arith.constant 0 : i32
      %dma_wait3A_130 = tpu.memref_slice %arg3[%dma_wait3A_128, %dma_wait3A_129] : memref<10000x128xf32, #tpu.memory_space<hbm>> -> memref<10000x128xf32, #tpu.memory_space<hbm>>
      tpu.wait_indirect_dma semaphore(%arg12 : memref<!tpu.dma_semaphore, #tpu.memory_space<semaphore_mem>>) src(%dma_wait3A_130 : memref<10000x128xf32, #tpu.memory_space<hbm>>) dst(%arg9 : memref<96x128xf32, #tpu.memory_space<vmem>>)
      %dma_start3A_131 = arith.constant 0 : i32
      %dma_start3A_132 = tpu.memref_slice %arg6[%rem3A_113, %dma_start3A_131] : memref<4x96xi32, #tpu.memory_space<vmem>> -> memref<1x96xi32, #tpu.memory_space<vmem>>
      %dma_start3A_133 = tpu.memref_squeeze %dma_start3A_132 : memref<1x96xi32, #tpu.memory_space<vmem>> -> memref<96xi32, #tpu.memory_space<vmem>>
      %dma_start3A_134 = arith.constant 0 : i32
      %dma_start3A_135 = arith.constant 0 : i32
      %dma_start3A_136 = tpu.memref_slice %arg10[%dma_start3A_134, %dma_start3A_135] : memref<10240x128xf32, #tpu.memory_space<vmem_shared>> -> memref<10240x128xf32, #tpu.memory_space<vmem_shared>>
      tpu.enqueue_indirect_dma source(%arg9 : memref<96x128xf32, #tpu.memory_space<vmem>>) target(%dma_start3A_136 : memref<10240x128xf32, #tpu.memory_space<vmem_shared>>) offsets(%dma_start3A_133 : memref<96xi32, #tpu.memory_space<vmem>>) semaphore(%arg14 : memref<!tpu.dma_semaphore, #tpu.memory_space<semaphore_mem>>) {add = true}
      %dma_wait3A_137 = arith.constant 0 : i32
      %dma_wait3A_138 = tpu.memref_slice %arg6[%rem3A_111, %dma_wait3A_137] : memref<4x96xi32, #tpu.memory_space<vmem>> -> memref<1x96xi32, #tpu.memory_space<vmem>>
      %dma_wait3A_139 = tpu.memref_squeeze %dma_wait3A_138 : memref<1x96xi32, #tpu.memory_space<vmem>> -> memref<96xi32, #tpu.memory_space<vmem>>
      %dma_wait3A_140 = arith.constant 0 : i32
      %dma_wait3A_141 = arith.constant 0 : i32
      %dma_wait3A_142 = tpu.memref_slice %arg10[%dma_wait3A_140, %dma_wait3A_141] : memref<10240x128xf32, #tpu.memory_space<vmem_shared>> -> memref<10240x128xf32, #tpu.memory_space<vmem_shared>>
      tpu.wait_indirect_dma semaphore(%arg13 : memref<!tpu.dma_semaphore, #tpu.memory_space<semaphore_mem>>) src(%arg8 : memref<96x128xf32, #tpu.memory_space<vmem>>) dst(%dma_wait3A_142 : memref<10240x128xf32, #tpu.memory_space<vmem_shared>>)
      %add3A_143 = arith.constant 2 : i32
      %add3A_144 = arith.addi %mul3A_107, %add3A_143 : i32
      %lt3A = arith.cmpi slt, %add3A_144, %select_n3A : i32
      %convert_element_type3A_145 = arith.extui %lt3A : i1 to i32
      %cond3A_146 = arith.constant 0 : i32
      %cond3A_147 = arith.cmpi ne, %convert_element_type3A_145, %cond3A_146 : i32
      scf.if %cond3A_147 {
        %add3A_160 = arith.constant 2 : i32
        %add3A_161 = arith.addi %mul3A_107, %add3A_160 : i32
        %rem3A_162 = arith.constant 4 : i32
        %rem3A_163 = arith.remsi %add3A_161, %rem3A_162 : i32
        %scan3A_164 = arith.constant 0 : i32
        %scan3A_165 = arith.constant 0 : i32
        %scan3A_166 = arith.constant 6 : i32
        %scan3A_167 = arith.addi %scan3A_165, %scan3A_166 : i32
        %scan3A_168 = arith.constant 1 : i32
        scf.for %scan3A_180 = %scan3A_165 to %scan3A_167 step %scan3A_168  : i32 {
          %mul3A_181 = arith.constant 16 : i32
          %mul3A_182 = arith.muli %scan3A_180, %mul3A_181 : i32
          %get3A = arith.index_cast %add3A_161 : i32 to index
          %get3A_183 = arith.index_cast %mul3A_182 : i32 to index
          %get3A_184 = tpu.vector_load %arg5[%get3A, %get3A_183] {strides = array<i32>} : memref<120x96xi32, #tpu.memory_space<vmem>>, vector<16xi32>,
          %shift_right_logical3A = arith.constant 14 : i32
          %shift_right_logical3A_185 = vector.broadcast %shift_right_logical3A : i32 to vector<16xi32>
          %shift_right_logical3A_186 = arith.shrui %get3A_184, %shift_right_logical3A_185 : vector<16xi32>
          %swap3A = arith.index_cast %rem3A_163 : i32 to index
          %swap3A_187 = arith.index_cast %mul3A_182 : i32 to index
          %swap3A_188 = tpu.vector_load %arg7[%swap3A, %swap3A_187] {strides = array<i32>} : memref<4x96xi32, #tpu.memory_space<vmem>>, vector<16xi32>,
          tpu.vector_store %arg7[%swap3A, %swap3A_187], %shift_right_logical3A_186 {strides = array<i32>} : memref<4x96xi32, #tpu.memory_space<vmem>>, vector<16xi32>,
          %and3A_189 = arith.constant 16383 : i32
          %and3A_190 = vector.broadcast %and3A_189 : i32 to vector<16xi32>
          %and3A_191 = arith.andi %get3A_184, %and3A_190 : vector<16xi32>
          %swap3A_192 = arith.index_cast %rem3A_163 : i32 to index
          %swap3A_193 = arith.index_cast %mul3A_182 : i32 to index
          %swap3A_194 = tpu.vector_load %arg6[%swap3A_192, %swap3A_193] {strides = array<i32>} : memref<4x96xi32, #tpu.memory_space<vmem>>, vector<16xi32>,
          tpu.vector_store %arg6[%swap3A_192, %swap3A_193], %and3A_191 {strides = array<i32>} : memref<4x96xi32, #tpu.memory_space<vmem>>, vector<16xi32>,
        }
        %scan3A_169 = arith.constant 6 : i32
        %add3A_170 = arith.constant 2 : i32
        %add3A_171 = arith.addi %mul3A_107, %add3A_170 : i32
        %rem3A_172 = arith.constant 4 : i32
        %rem3A_173 = arith.remsi %add3A_171, %rem3A_172 : i32
        %dma_start3A_174 = arith.constant 0 : i32
        %dma_start3A_175 = tpu.memref_slice %arg7[%rem3A_173, %dma_start3A_174] : memref<4x96xi32, #tpu.memory_space<vmem>> -> memref<1x96xi32, #tpu.memory_space<vmem>>
        %dma_start3A_176 = tpu.memref_squeeze %dma_start3A_175 : memref<1x96xi32, #tpu.memory_space<vmem>> -> memref<96xi32, #tpu.memory_space<vmem>>
        %dma_start3A_177 = arith.constant 0 : i32
        %dma_start3A_178 = arith.constant 0 : i32
        %dma_start3A_179 = tpu.memref_slice %arg3[%dma_start3A_177, %dma_start3A_178] : memref<10000x128xf32, #tpu.memory_space<hbm>> -> memref<10000x128xf32, #tpu.memory_space<hbm>>
        tpu.enqueue_indirect_dma source(%dma_start3A_179 : memref<10000x128xf32, #tpu.memory_space<hbm>>) target(%arg8 : memref<96x128xf32, #tpu.memory_space<vmem>>) offsets(%dma_start3A_176 : memref<96xi32, #tpu.memory_space<vmem>>) semaphore(%arg11 : memref<!tpu.dma_semaphore, #tpu.memory_space<semaphore_mem>>)
      } else {
      }
      %dma_wait3A_148 = arith.constant 0 : i32
      %dma_wait3A_149 = tpu.memref_slice %arg6[%rem3A_113, %dma_wait3A_148] : memref<4x96xi32, #tpu.memory_space<vmem>> -> memref<1x96xi32, #tpu.memory_space<vmem>>
      %dma_wait3A_150 = tpu.memref_squeeze %dma_wait3A_149 : memref<1x96xi32, #tpu.memory_space<vmem>> -> memref<96xi32, #tpu.memory_space<vmem>>
      %dma_wait3A_151 = arith.constant 0 : i32
      %dma_wait3A_152 = arith.constant 0 : i32
      %dma_wait3A_153 = tpu.memref_slice %arg10[%dma_wait3A_151, %dma_wait3A_152] : memref<10240x128xf32, #tpu.memory_space<vmem_shared>> -> memref<10240x128xf32, #tpu.memory_space<vmem_shared>>
      tpu.wait_indirect_dma semaphore(%arg14 : memref<!tpu.dma_semaphore, #tpu.memory_space<semaphore_mem>>) src(%arg9 : memref<96x128xf32, #tpu.memory_space<vmem>>) dst(%dma_wait3A_153 : memref<10240x128xf32, #tpu.memory_space<vmem_shared>>)
      %add3A_154 = arith.constant 2 : i32
      %add3A_155 = arith.addi %add3A_109, %add3A_154 : i32
      %lt3A_156 = arith.cmpi slt, %add3A_155, %select_n3A : i32
      %convert_element_type3A_157 = arith.extui %lt3A_156 : i1 to i32
      %cond3A_158 = arith.constant 0 : i32
      %cond3A_159 = arith.cmpi ne, %convert_element_type3A_157, %cond3A_158 : i32
      scf.if %cond3A_159 {
        %add3A_160 = arith.constant 2 : i32
        %add3A_161 = arith.addi %add3A_109, %add3A_160 : i32
        %rem3A_162 = arith.constant 4 : i32
        %rem3A_163 = arith.remsi %add3A_161, %rem3A_162 : i32
        %scan3A_164 = arith.constant 0 : i32
        %scan3A_165 = arith.constant 0 : i32
        %scan3A_166 = arith.constant 6 : i32
        %scan3A_167 = arith.addi %scan3A_165, %scan3A_166 : i32
        %scan3A_168 = arith.constant 1 : i32
        scf.for %scan3A_180 = %scan3A_165 to %scan3A_167 step %scan3A_168  : i32 {
          %mul3A_181 = arith.constant 16 : i32
          %mul3A_182 = arith.muli %scan3A_180, %mul3A_181 : i32
          %get3A = arith.index_cast %add3A_161 : i32 to index
          %get3A_183 = arith.index_cast %mul3A_182 : i32 to index
          %get3A_184 = tpu.vector_load %arg5[%get3A, %get3A_183] {strides = array<i32>} : memref<120x96xi32, #tpu.memory_space<vmem>>, vector<16xi32>,
          %shift_right_logical3A = arith.constant 14 : i32
          %shift_right_logical3A_185 = vector.broadcast %shift_right_logical3A : i32 to vector<16xi32>
          %shift_right_logical3A_186 = arith.shrui %get3A_184, %shift_right_logical3A_185 : vector<16xi32>
          %swap3A = arith.index_cast %rem3A_163 : i32 to index
          %swap3A_187 = arith.index_cast %mul3A_182 : i32 to index
          %swap3A_188 = tpu.vector_load %arg7[%swap3A, %swap3A_187] {strides = array<i32>} : memref<4x96xi32, #tpu.memory_space<vmem>>, vector<16xi32>,
          tpu.vector_store %arg7[%swap3A, %swap3A_187], %shift_right_logical3A_186 {strides = array<i32>} : memref<4x96xi32, #tpu.memory_space<vmem>>, vector<16xi32>,
          %and3A_189 = arith.constant 16383 : i32
          %and3A_190 = vector.broadcast %and3A_189 : i32 to vector<16xi32>
          %and3A_191 = arith.andi %get3A_184, %and3A_190 : vector<16xi32>
          %swap3A_192 = arith.index_cast %rem3A_163 : i32 to index
          %swap3A_193 = arith.index_cast %mul3A_182 : i32 to index
          %swap3A_194 = tpu.vector_load %arg6[%swap3A_192, %swap3A_193] {strides = array<i32>} : memref<4x96xi32, #tpu.memory_space<vmem>>, vector<16xi32>,
          tpu.vector_store %arg6[%swap3A_192, %swap3A_193], %and3A_191 {strides = array<i32>} : memref<4x96xi32, #tpu.memory_space<vmem>>, vector<16xi32>,
        }
        %scan3A_169 = arith.constant 6 : i32
        %add3A_170 = arith.constant 2 : i32
        %add3A_171 = arith.addi %add3A_109, %add3A_170 : i32
        %rem3A_172 = arith.constant 4 : i32
        %rem3A_173 = arith.remsi %add3A_171, %rem3A_172 : i32
        %dma_start3A_174 = arith.constant 0 : i32
        %dma_start3A_175 = tpu.memref_slice %arg7[%rem3A_173, %dma_start3A_174] : memref<4x96xi32, #tpu.memory_space<vmem>> -> memref<1x96xi32, #tpu.memory_space<vmem>>
        %dma_start3A_176 = tpu.memref_squeeze %dma_start3A_175 : memref<1x96xi32, #tpu.memory_space<vmem>> -> memref<96xi32, #tpu.memory_space<vmem>>
        %dma_start3A_177 = arith.constant 0 : i32
        %dma_start3A_178 = arith.constant 0 : i32
        %dma_start3A_179 = tpu.memref_slice %arg3[%dma_start3A_177, %dma_start3A_178] : memref<10000x128xf32, #tpu.memory_space<hbm>> -> memref<10000x128xf32, #tpu.memory_space<hbm>>
        tpu.enqueue_indirect_dma source(%dma_start3A_179 : memref<10000x128xf32, #tpu.memory_space<hbm>>) target(%arg9 : memref<96x128xf32, #tpu.memory_space<vmem>>) offsets(%dma_start3A_176 : memref<96xi32, #tpu.memory_space<vmem>>) semaphore(%arg12 : memref<!tpu.dma_semaphore, #tpu.memory_space<semaphore_mem>>)
      } else {
      }
    }
    %barrier3A_100 = arith.constant 0 : index
    tpu.barrier barrier_id(%barrier3A_100)
    %mul3A_101 = arith.constant 640 : i32
    %mul3A_102 = arith.muli %arg1, %mul3A_101 : i32
    %mul3A_103 = arith.constant 640 : i32
    %mul3A_104 = arith.muli %arg1, %mul3A_103 : i32
    "tpu.region"() ({
      %run_scoped3A = tpu.sem_alloc : memref<!tpu.dma_semaphore, #tpu.memory_space<semaphore_mem>>
      %dma_start3A_105 = arith.constant 0 : i32
      %dma_start3A_106 = tpu.memref_slice %arg4[%arg0, %mul3A_104, %dma_start3A_105] : memref<2x10240x128xf32, #tpu.memory_space<hbm>> -> memref<1x640x128xf32, #tpu.memory_space<hbm>>
      %dma_start3A_107 = tpu.memref_squeeze %dma_start3A_106 : memref<1x640x128xf32, #tpu.memory_space<hbm>> -> memref<640x128xf32, #tpu.memory_space<hbm>>
      %dma_start3A_108 = arith.constant 0 : i32
      %dma_start3A_109 = tpu.memref_slice %arg10[%mul3A_102, %dma_start3A_108] : memref<10240x128xf32, #tpu.memory_space<vmem_shared>> -> memref<640x128xf32, #tpu.memory_space<vmem_shared>>
      tpu.enqueue_dma source(%dma_start3A_109 : memref<640x128xf32, #tpu.memory_space<vmem_shared>>) target(%dma_start3A_107 : memref<640x128xf32, #tpu.memory_space<hbm>>) target_semaphore(%run_scoped3A : memref<!tpu.dma_semaphore, #tpu.memory_space<semaphore_mem>>)
      %dma_wait3A = arith.constant 0 : i32
      %dma_wait3A_110 = tpu.memref_slice %arg4[%arg0, %mul3A_104, %dma_wait3A] : memref<2x10240x128xf32, #tpu.memory_space<hbm>> -> memref<1x640x128xf32, #tpu.memory_space<hbm>>
      %dma_wait3A_111 = tpu.memref_squeeze %dma_wait3A_110 : memref<1x640x128xf32, #tpu.memory_space<hbm>> -> memref<640x128xf32, #tpu.memory_space<hbm>>
      %dma_wait3A_112 = arith.constant 0 : i32
      %dma_wait3A_113 = tpu.memref_slice %arg10[%mul3A_102, %dma_wait3A_112] : memref<10240x128xf32, #tpu.memory_space<vmem_shared>> -> memref<640x128xf32, #tpu.memory_space<vmem_shared>>
      tpu.wait_dma2 semaphore(%run_scoped3A : memref<!tpu.dma_semaphore, #tpu.memory_space<semaphore_mem>>) src(%dma_wait3A_113 : memref<640x128xf32, #tpu.memory_space<vmem_shared>>) dst(%dma_wait3A_111 : memref<640x128xf32, #tpu.memory_space<hbm>>)
      tpu.yield
    }) : () -> ()
    return
  }
}

module attributes {stable_mosaic.version = 14 : i64} {
  func.func @_prep_body(%arg0: memref<2x10240x1xf32, #tpu.memory_space<vmem>>, %arg1: memref<10000x128xf32, #tpu.memory_space<vmem>>, %arg2: memref<10240x1xf32, #tpu.memory_space<vmem>>, %arg3: memref<10000x128xf32, #tpu.memory_space<vmem>>) attributes {dimension_semantics = [], scalar_prefetch = 0 : i64, scratch_operands = 0 : i64, tpu.core_type = #tpu.core_type<tc>} {
    %get3A = arith.constant 0 : index
    %get3A_0 = arith.constant 0 : index
    %get3A_1 = arith.constant 0 : index
    %get3A_2 = vector.load %arg0[%get3A, %get3A_0, %get3A_1] : memref<2x10240x1xf32, #tpu.memory_space<vmem>>, vector<1x10240x1xf32>
    %get3A_3 = vector.shape_cast %get3A_2 : vector<1x10240x1xf32> to vector<10240x1xf32>
    %get3A_4 = arith.constant 1 : index
    %get3A_5 = arith.constant 0 : index
    %get3A_6 = arith.constant 0 : index
    %get3A_7 = vector.load %arg0[%get3A_4, %get3A_5, %get3A_6] : memref<2x10240x1xf32, #tpu.memory_space<vmem>>, vector<1x10240x1xf32>
    %get3A_8 = vector.shape_cast %get3A_7 : vector<1x10240x1xf32> to vector<10240x1xf32>
    %add3A = arith.addf %get3A_3, %get3A_8 : vector<10240x1xf32>
    %gt3A = arith.constant 0.000000e+00 : f32
    %gt3A_9 = vector.broadcast %gt3A : f32 to vector<10240x1xf32>
    %gt3A_10 = arith.cmpf ogt, %add3A, %gt3A_9 : vector<10240x1xf32>
    %rsqrt3A = math.rsqrt %add3A : vector<10240x1xf32>
    %jit3A = arith.constant 0.000000e+00 : f32
    %broadcast_in_dim3A = vector.broadcast %jit3A : f32 to vector<10240x1xf32>
    %select_n3A = arith.select %gt3A_10, %rsqrt3A, %broadcast_in_dim3A : vector<10240x1xi1>, vector<10240x1xf32>
    %swap3A = arith.constant 0 : index
    %swap3A_11 = arith.constant 0 : index
    %swap3A_12 = vector.load %arg2[%swap3A, %swap3A_11] : memref<10240x1xf32, #tpu.memory_space<vmem>>, vector<10240x1xf32>
    tpu.vector_store %arg2[%swap3A, %swap3A_11], %select_n3A {strides = array<i32>} : memref<10240x1xf32, #tpu.memory_space<vmem>>, vector<10240x1xf32>,
    %get3A_13 = arith.constant 0 : index
    %get3A_14 = arith.constant 0 : index
    %get3A_15 = vector.load %arg1[%get3A_13, %get3A_14] : memref<10000x128xf32, #tpu.memory_space<vmem>>, vector<10000x128xf32>
    %slice3A = vector.extract_strided_slice %select_n3A {offsets = [0, 0], sizes = [10000, 1], strides = [1, 1]} : vector<10240x1xf32> to vector<10000x1xf32>
    %mul3A = vector.broadcast %slice3A : vector<10000x1xf32> to vector<10000x128xf32>
    %mul3A_16 = arith.mulf %get3A_15, %mul3A : vector<10000x128xf32>
    %swap3A_17 = arith.constant 0 : index
    %swap3A_18 = arith.constant 0 : index
    %swap3A_19 = vector.load %arg3[%swap3A_17, %swap3A_18] : memref<10000x128xf32, #tpu.memory_space<vmem>>, vector<10000x128xf32>
    tpu.vector_store %arg3[%swap3A_17, %swap3A_18], %mul3A_16 {strides = array<i32>} : memref<10000x128xf32, #tpu.memory_space<vmem>>, vector<10000x128xf32>,
    return
  }
}

module attributes {stable_mosaic.version = 14 : i64} {
  func.func @_final_body(%arg0: i32, %arg1: memref<2x2000x128xf32, #tpu.memory_space<vmem>>, %arg2: memref<2000x1xf32, #tpu.memory_space<vmem>>, %arg3: memref<128x256xf32, #tpu.memory_space<vmem>>, %arg4: memref<1x256xf32, #tpu.memory_space<vmem>>, %arg5: memref<256x1xf32, #tpu.memory_space<vmem>>, %arg6: memref<1x1xf32, #tpu.memory_space<vmem>>, %arg7: memref<256x128xf32, #tpu.memory_space<vmem>>, %arg8: memref<1x128xf32, #tpu.memory_space<vmem>>, %arg9: memref<1x128xf32, #tpu.memory_space<vmem>>, %arg10: memref<1x256xf32, #tpu.memory_space<vmem>>, %arg11: memref<1xf32, #tpu.memory_space<smem>>, %arg12: memref<1xf32, #tpu.memory_space<smem>>) attributes {dimension_semantics = [#tpu.dimension_semantics<arbitrary>], iteration_bounds = array<i64: 5>, scalar_prefetch = 0 : i64, scratch_operands = 3 : i64, tpu.core_type = #tpu.core_type<tc>, window_params = [{transform_indices = @transform_0, window_bounds = array<i64: 2, 2000, 128>}, {transform_indices = @transform_1, window_bounds = array<i64: 2000, 1>}, {pipeline_mode = #tpu.pipeline_mode<synchronous>, transform_indices = @transform_2, window_bounds = array<i64: 128, 256>}, {pipeline_mode = #tpu.pipeline_mode<synchronous>, transform_indices = @transform_3, window_bounds = array<i64: 1, 256>}, {pipeline_mode = #tpu.pipeline_mode<synchronous>, transform_indices = @transform_4, window_bounds = array<i64: 256, 1>}, {pipeline_mode = #tpu.pipeline_mode<synchronous>, transform_indices = @transform_5, window_bounds = array<i64: 1, 1>}, {pipeline_mode = #tpu.pipeline_mode<synchronous>, transform_indices = @transform_6, window_bounds = array<i64: 256, 128>}, {pipeline_mode = #tpu.pipeline_mode<synchronous>, transform_indices = @transform_7, window_bounds = array<i64: 1, 128>}, {pipeline_mode = #tpu.pipeline_mode<synchronous>, transform_indices = @transform_8, window_bounds = array<i64: 1, 128>}]} {
    %eq3A = arith.constant 0 : i32
    %eq3A_0 = arith.cmpi eq, %arg0, %eq3A : i32
    %convert_element_type3A = arith.extui %eq3A_0 : i1 to i32
    %cond3A = arith.constant 0 : i32
    %cond3A_1 = arith.cmpi ne, %convert_element_type3A, %cond3A : i32
    scf.if %cond3A_1 {
      %swap3A_75 = arith.constant 0xFF800000 : f32
      %swap3A_76 = arith.constant 0 : index
      %swap3A_77 = memref.load %arg11[%swap3A_76] : memref<1xf32, #tpu.memory_space<smem>>
      memref.store %swap3A_75, %arg11[%swap3A_76] : memref<1xf32, #tpu.memory_space<smem>>
      %swap3A_78 = arith.constant 0.000000e+00 : f32
      %swap3A_79 = arith.constant 0 : index
      %swap3A_80 = memref.load %arg12[%swap3A_79] : memref<1xf32, #tpu.memory_space<smem>>
      memref.store %swap3A_78, %arg12[%swap3A_79] : memref<1xf32, #tpu.memory_space<smem>>
      %broadcast_in_dim3A_81 = arith.constant 0.000000e+00 : f32
      %broadcast_in_dim3A_82 = vector.broadcast %broadcast_in_dim3A_81 : f32 to vector<1x256xf32>
      %swap3A_83 = arith.constant 0 : index
      %swap3A_84 = arith.constant 0 : index
      %swap3A_85 = vector.load %arg10[%swap3A_83, %swap3A_84] : memref<1x256xf32, #tpu.memory_space<vmem>>, vector<1x256xf32>
      tpu.vector_store %arg10[%swap3A_83, %swap3A_84], %broadcast_in_dim3A_82 {strides = array<i32>} : memref<1x256xf32, #tpu.memory_space<vmem>>, vector<1x256xf32>,
    } else {
    }
    %get3A = arith.constant 0 : index
    %get3A_2 = arith.constant 0 : index
    %get3A_3 = arith.constant 0 : index
    %get3A_4 = vector.load %arg1[%get3A, %get3A_2, %get3A_3] : memref<2x2000x128xf32, #tpu.memory_space<vmem>>, vector<1x2000x128xf32>
    %get3A_5 = vector.shape_cast %get3A_4 : vector<1x2000x128xf32> to vector<2000x128xf32>
    %get3A_6 = arith.constant 1 : index
    %get3A_7 = arith.constant 0 : index
    %get3A_8 = arith.constant 0 : index
    %get3A_9 = vector.load %arg1[%get3A_6, %get3A_7, %get3A_8] : memref<2x2000x128xf32, #tpu.memory_space<vmem>>, vector<1x2000x128xf32>
    %get3A_10 = vector.shape_cast %get3A_9 : vector<1x2000x128xf32> to vector<2000x128xf32>
    %add3A = arith.addf %get3A_5, %get3A_10 : vector<2000x128xf32>
    %get3A_11 = arith.constant 0 : index
    %get3A_12 = arith.constant 0 : index
    %get3A_13 = vector.load %arg2[%get3A_11, %get3A_12] : memref<2000x1xf32, #tpu.memory_space<vmem>>, vector<2000x1xf32>
    %mul3A = vector.broadcast %get3A_13 : vector<2000x1xf32> to vector<2000x128xf32>
    %mul3A_14 = arith.mulf %add3A, %mul3A : vector<2000x128xf32>
    %get3A_15 = arith.constant 0 : index
    %get3A_16 = arith.constant 0 : index
    %get3A_17 = vector.load %arg3[%get3A_15, %get3A_16] : memref<128x256xf32, #tpu.memory_space<vmem>>, vector<128x256xf32>
    %dot_general3A = arith.constant dense<0.000000e+00> : vector<2000x256xf32>
    %dot_general3A_18 = tpu.matmul %mul3A_14, %get3A_17, %dot_general3A {dimension_numbers = #tpu.dot_dimension_numbers<[1], [0], [0], [1], [0, 0, 1, 1], [], []>, transpose_lhs_hint = false} : vector<2000x128xf32>, vector<128x256xf32>, vector<2000x256xf32> -> vector<2000x256xf32>
    %get3A_19 = arith.constant 0 : index
    %get3A_20 = arith.constant 0 : index
    %get3A_21 = vector.load %arg4[%get3A_19, %get3A_20] : memref<1x256xf32, #tpu.memory_space<vmem>>, vector<1x256xf32>
    %add3A_22 = vector.broadcast %get3A_21 : vector<1x256xf32> to vector<2000x256xf32>
    %add3A_23 = arith.addf %dot_general3A_18, %add3A_22 : vector<2000x256xf32>
    %max3A = arith.constant 0.000000e+00 : f32
    %max3A_24 = vector.broadcast %max3A : f32 to vector<2000x256xf32>
    %max3A_25 = arith.maximumf %add3A_23, %max3A_24 : vector<2000x256xf32>
    %get3A_26 = arith.constant 0 : index
    %get3A_27 = arith.constant 0 : index
    %get3A_28 = vector.load %arg5[%get3A_26, %get3A_27] : memref<256x1xf32, #tpu.memory_space<vmem>>, vector<256x1xf32>
    %dot_general3A_29 = arith.constant dense<0.000000e+00> : vector<2000x1xf32>
    %dot_general3A_30 = tpu.matmul %max3A_25, %get3A_28, %dot_general3A_29 {dimension_numbers = #tpu.dot_dimension_numbers<[1], [0], [0], [1], [0, 0, 1, 1], [], []>, transpose_lhs_hint = false} : vector<2000x256xf32>, vector<256x1xf32>, vector<2000x1xf32> -> vector<2000x1xf32>
    %get3A_31 = arith.constant 0 : index
    %get3A_32 = arith.constant 0 : index
    %get3A_33 = vector.load %arg6[%get3A_31, %get3A_32] : memref<1x1xf32, #tpu.memory_space<vmem>>, vector<1x1xf32>
    %add3A_34 = vector.broadcast %get3A_33 : vector<1x1xf32> to vector<2000x1xf32>
    %add3A_35 = arith.addf %dot_general3A_30, %add3A_34 : vector<2000x1xf32>
    %reduce_max3A = vector.shape_cast %add3A_35 : vector<2000x1xf32> to vector<1x2000x1xf32>
    %reduce_max3A_36 = arith.constant dense<0xFF800000> : vector<1xf32>
    %reduce_max3A_37 = vector.multi_reduction <maximumf>, %reduce_max3A, %reduce_max3A_36 [1, 2] : vector<1x2000x1xf32> to vector<1xf32>
    %reduce_max3A_38 = vector.shape_cast %reduce_max3A_37 : vector<1xf32> to vector<1x1x1xf32>
    %reduce_max3A_39 = vector.extract %reduce_max3A_38[0, 0, 0] : f32 from vector<1x1x1xf32>
    %get3A_40 = arith.constant 0 : index
    %get3A_41 = memref.load %arg11[%get3A_40] : memref<1xf32, #tpu.memory_space<smem>>
    %max3A_42 = arith.maximumf %get3A_41, %reduce_max3A_39 : f32
    %sub3A = arith.subf %get3A_41, %max3A_42 : f32
    %exp3A = math.exp %sub3A : f32
    %sub3A_43 = vector.broadcast %max3A_42 : f32 to vector<2000x1xf32>
    %sub3A_44 = arith.subf %add3A_35, %sub3A_43 : vector<2000x1xf32>
    %exp3A_45 = math.exp %sub3A_44 : vector<2000x1xf32>
    %get3A_46 = arith.constant 0 : index
    %get3A_47 = memref.load %arg12[%get3A_46] : memref<1xf32, #tpu.memory_space<smem>>
    %mul3A_48 = arith.mulf %get3A_47, %exp3A : f32
    %reduce_sum3A = vector.shape_cast %exp3A_45 : vector<2000x1xf32> to vector<1x2000x1xf32>
    %reduce_sum3A_49 = arith.constant dense<0.000000e+00> : vector<1xf32>
    %reduce_sum3A_50 = vector.multi_reduction <add>, %reduce_sum3A, %reduce_sum3A_49 [1, 2] : vector<1x2000x1xf32> to vector<1xf32>
    %reduce_sum3A_51 = vector.shape_cast %reduce_sum3A_50 : vector<1xf32> to vector<1x1x1xf32>
    %reduce_sum3A_52 = vector.extract %reduce_sum3A_51[0, 0, 0] : f32 from vector<1x1x1xf32>
    %add3A_53 = arith.addf %mul3A_48, %reduce_sum3A_52 : f32
    %swap3A = arith.constant 0 : index
    %swap3A_54 = memref.load %arg12[%swap3A] : memref<1xf32, #tpu.memory_space<smem>>
    memref.store %add3A_53, %arg12[%swap3A] : memref<1xf32, #tpu.memory_space<smem>>
    %get3A_55 = arith.constant 0 : index
    %get3A_56 = arith.constant 0 : index
    %get3A_57 = vector.load %arg10[%get3A_55, %get3A_56] : memref<1x256xf32, #tpu.memory_space<vmem>>, vector<1x256xf32>
    %mul3A_58 = vector.broadcast %exp3A : f32 to vector<1x256xf32>
    %mul3A_59 = arith.mulf %get3A_57, %mul3A_58 : vector<1x256xf32>
    %mul3A_60 = vector.broadcast %exp3A_45 : vector<2000x1xf32> to vector<2000x256xf32>
    %mul3A_61 = arith.mulf %mul3A_60, %max3A_25 : vector<2000x256xf32>
    %reduce_sum3A_62 = arith.constant dense<0.000000e+00> : vector<256xf32>
    %reduce_sum3A_63 = vector.multi_reduction <add>, %mul3A_61, %reduce_sum3A_62 [0] : vector<2000x256xf32> to vector<256xf32>
    %broadcast_in_dim3A = vector.shape_cast %reduce_sum3A_63 : vector<256xf32> to vector<1x256xf32>
    %add3A_64 = arith.addf %mul3A_59, %broadcast_in_dim3A : vector<1x256xf32>
    %swap3A_65 = arith.constant 0 : index
    %swap3A_66 = arith.constant 0 : index
    %swap3A_67 = vector.load %arg10[%swap3A_65, %swap3A_66] : memref<1x256xf32, #tpu.memory_space<vmem>>, vector<1x256xf32>
    tpu.vector_store %arg10[%swap3A_65, %swap3A_66], %add3A_64 {strides = array<i32>} : memref<1x256xf32, #tpu.memory_space<vmem>>, vector<1x256xf32>,
    %swap3A_68 = arith.constant 0 : index
    %swap3A_69 = memref.load %arg11[%swap3A_68] : memref<1xf32, #tpu.memory_space<smem>>
    memref.store %max3A_42, %arg11[%swap3A_68] : memref<1xf32, #tpu.memory_space<smem>>
    %eq3A_70 = arith.constant 4 : i32
    %eq3A_71 = arith.cmpi eq, %arg0, %eq3A_70 : i32
    %convert_element_type3A_72 = arith.extui %eq3A_71 : i1 to i32
    %cond3A_73 = arith.constant 0 : i32
    %cond3A_74 = arith.cmpi ne, %convert_element_type3A_72, %cond3A_73 : i32
    scf.if %cond3A_74 {
      %get3A_75 = arith.constant 0 : index
      %get3A_76 = arith.constant 0 : index
      %get3A_77 = vector.load %arg10[%get3A_75, %get3A_76] : memref<1x256xf32, #tpu.memory_space<vmem>>, vector<1x256xf32>
      %get3A_78 = arith.constant 0 : index
      %get3A_79 = memref.load %arg12[%get3A_78] : memref<1xf32, #tpu.memory_space<smem>>
      %div3A = vector.broadcast %get3A_79 : f32 to vector<1x256xf32>
      %div3A_80 = arith.divf %get3A_77, %div3A : vector<1x256xf32>
      %get3A_81 = arith.constant 0 : index
      %get3A_82 = arith.constant 0 : index
      %get3A_83 = vector.load %arg7[%get3A_81, %get3A_82] : memref<256x128xf32, #tpu.memory_space<vmem>>, vector<256x128xf32>
      %dot_general3A_84 = arith.constant dense<0.000000e+00> : vector<1x128xf32>
      %dot_general3A_85 = tpu.matmul %div3A_80, %get3A_83, %dot_general3A_84 {dimension_numbers = #tpu.dot_dimension_numbers<[1], [0], [0], [1], [0, 0, 1, 1], [], []>, transpose_lhs_hint = false} : vector<1x256xf32>, vector<256x128xf32>, vector<1x128xf32> -> vector<1x128xf32>
      %get3A_86 = arith.constant 0 : index
      %get3A_87 = arith.constant 0 : index
      %get3A_88 = vector.load %arg8[%get3A_86, %get3A_87] : memref<1x128xf32, #tpu.memory_space<vmem>>, vector<1x128xf32>
      %add3A_89 = arith.addf %dot_general3A_85, %get3A_88 : vector<1x128xf32>
      %swap3A_90 = arith.constant 0 : index
      %swap3A_91 = arith.constant 0 : index
      %swap3A_92 = vector.load %arg9[%swap3A_90, %swap3A_91] : memref<1x128xf32, #tpu.memory_space<vmem>>, vector<1x128xf32>
      tpu.vector_store %arg9[%swap3A_90, %swap3A_91], %add3A_89 {strides = array<i32>} : memref<1x128xf32, #tpu.memory_space<vmem>>, vector<1x128xf32>,
    } else {
    }
    return
  }
  func.func @transform_0(%arg0: i32) -> (i32, i32, i32) {
    %c0_i32 = arith.constant 0 : i32
    %c0_i32_0 = arith.constant 0 : i32
    %c0_i32_1 = arith.constant 0 : i32
    return %c0_i32, %arg0, %c0_i32_0 : i32, i32, i32
  }
  func.func @transform_1(%arg0: i32) -> (i32, i32) {
    %c0_i32 = arith.constant 0 : i32
    %c0_i32_0 = arith.constant 0 : i32
    return %arg0, %c0_i32 : i32, i32
  }
  func.func @transform_2(%arg0: i32) -> (i32, i32) {
    %c0_i32 = arith.constant 0 : i32
    %c0_i32_0 = arith.constant 0 : i32
    %c0_i32_1 = arith.constant 0 : i32
    return %c0_i32, %c0_i32_0 : i32, i32
  }
  func.func @transform_3(%arg0: i32) -> (i32, i32) {
    %c0_i32 = arith.constant 0 : i32
    %c0_i32_0 = arith.constant 0 : i32
    %c0_i32_1 = arith.constant 0 : i32
    return %c0_i32, %c0_i32_0 : i32, i32
  }
  func.func @transform_4(%arg0: i32) -> (i32, i32) {
    %c0_i32 = arith.constant 0 : i32
    %c0_i32_0 = arith.constant 0 : i32
    %c0_i32_1 = arith.constant 0 : i32
    return %c0_i32, %c0_i32_0 : i32, i32
  }
  func.func @transform_5(%arg0: i32) -> (i32, i32) {
    %c0_i32 = arith.constant 0 : i32
    %c0_i32_0 = arith.constant 0 : i32
    %c0_i32_1 = arith.constant 0 : i32
    return %c0_i32, %c0_i32_0 : i32, i32
  }
  func.func @transform_6(%arg0: i32) -> (i32, i32) {
    %c0_i32 = arith.constant 0 : i32
    %c0_i32_0 = arith.constant 0 : i32
    %c0_i32_1 = arith.constant 0 : i32
    return %c0_i32, %c0_i32_0 : i32, i32
  }
  func.func @transform_7(%arg0: i32) -> (i32, i32) {
    %c0_i32 = arith.constant 0 : i32
    %c0_i32_0 = arith.constant 0 : i32
    %c0_i32_1 = arith.constant 0 : i32
    return %c0_i32, %c0_i32_0 : i32, i32
  }
  func.func @transform_8(%arg0: i32) -> (i32, i32) {
    %c0_i32 = arith.constant 0 : i32
    %c0_i32_0 = arith.constant 0 : i32
    %c0_i32_1 = arith.constant 0 : i32
    return %c0_i32, %c0_i32_0 : i32, i32
  }
}

</mosaic_0001>

<sc_bundles>
// kernel: kernel.6.cloned.1.call-start
scs
__scs_entry_jumppad:
0x0: {  	(pc) =	sbr.rel $0x88, $3  }
0x1: {  	(tag) =	ssettag $0x0;
	lr =	simm.s32 $0x1  }
0x2: {  	[smem:$0x3F99] =	sst lr;
	_ =	strace $0xD0000000  }
0x3: {  	_ = 	snop  }
0x4: {  	_ = 	snop  }
0x5: {  	_ = 	snop  }
0x6: {  	_ = 	snop  }
0x7: {  	_ = 	snop  }
__scs_overlays_trampoline_lowered:
0x8: {  	[smem:$0x3FA8] =	sst s0  }
0x9: {  	[smem:$0x3FA9] =	sst s1  }
0xa: {  	[smem:$0x3FAA] =	sst s2  }
0xb: {  	[smem:$0x3FAB] =	sst s3  }
0xc: {  	[smem:$0x3FAC] =	sst s4  }
0xd: {  	[smem:$0x3FAD] =	sst s5  }
0xe: {  	[smem:$0x3FAE] =	sst s6  }
0xf: {  	[smem:$0x3FAF] =	sst s7  }
0x10: {  	[smem:$0x3FB0] =	sst s8  }
0x11: {  	[smem:$0x3FB1] =	sst s9;
	s0 =	simm.s32 @!p0 $0x0  }
0x12: {  	s1 =	sld [smem:$0x3F97];
	s0 =	simm.s32 @p0 $0x1  }
0x13: {  	[smem:$0x3FB2] =	sst s0;
	s0 =	simm.s32 @!p1 $0x0  }
0x14: {  	s2 =	sld [smem:$0x3F96];
	s0 =	simm.s32 @p1 $0x1  }
0x15: {  	[smem:$0x3FB3] =	sst s0;
	s0 =	simm.s32 @!p2 $0x0  }
0x16: {  	s3 =	sld [smem:$0x3FDB];
	s0 =	simm.s32 @p2 $0x1  }
0x17: {  	s4 =	simm.s32 $0x1BF5;
	[smem:$0x3FB5] =	sst s0  }
0x18: {  	s0 =	sld [smem:$0x3F98];
	_ =	swait.ge [sflag:s4], $0x0  }
0x19: {  	s7 =	sld [smem:$0x3F99]  }
0x1a: {  	s8 =	sadd.s32 $0xFFFFE003, lr  }
0x1b: {  	s9 =	sadd.s32 $0xFFFFFEF7, lr;
	s5 =	simm.s32 $0xFFFFFFFF;
	p2 =	slt.u32 s8, $0xFFFFF086  }
0x1c: {  	p1 =	slt.u32 s9, $0xF7A;
	s5 =	simm.s32 @!p2 $0x0  }
0x1d: {  	s5 =	simm.s32 @p1 $0x1;
	p0 =	seq.s32 s7, s2  }
0x1e: {  	s7 =	smul.u32 @!p0 $0xF7A, s2;
	p2 =	seq.s32 @!p0 s5, $0x0  }
0x1f: {  	s9 =	smul.u32 $0xF7A, s1;
	s8 =	simm.s32 @!p0 $0x1BF5;
	p2 =	por !p2, p0  }
0x20: {  	[sflag:s8] =	ssyncset.s32 @!p0 $0xFFFFF086;
	s6 =	sadd.s32 @!p0 s3, s7;
	s7 =	simm.s32 @!p0 $0x108  }
0x21: {  	s3 =	sadd.s32 s3, s9;
	s6 =	sadd.s32 @!p0 $0x88, s6;
	s7 =	simm.s32 @p2 $0x1082  }
0x22: {  	[simem:s7], [sflag:s8] =	dma.local @!p0 [hbm:s6], $0xF7A  }
0x23: {  	s9 =	sor.u32 $0xD0000000, s2;
	s6 =	simm.s32 $0x108;
	_ =	swait.ge @!p0 [sflag:s8], $0x0  }
0x24: {  	s3 =	sadd.s32 $0x88, s3;
	s6 =	simm.s32 @!p1 $0x1082;
	[sflag:s4] =	ssyncset.s32 $0xFFFFF086  }
0x25: {  	[simem:s6], [sflag:s4] =	dma.local [hbm:s3], $0xF7A  }
0x26: {  	[smem:$0x3F99] =	sst s1;
	(tag) =	ssettag s2;
	_ =	strace s9  }
0x27: {  	s1 =	sld [smem:$0x3FA9]  }
0x28: {  	s2 =	sld [smem:$0x3FAA]  }
0x29: {  	s4 =	sld [smem:$0x3FAC]  }
0x2a: {  	p0 =	seq.s32 s5, $0x0;
	s5 =	sld [smem:$0x3FAD]  }
0x2b: {  	s6 =	sld [smem:$0x3FAE]  }
0x2c: {  	s7 =	sld [smem:$0x3FAF]  }
0x2d: {  	s3 =	simm.s32 $0x108;
	s8 =	sld [smem:$0x3FB0]  }
0x2e: {  	s3 =	simm.s32 @!p0 $0x1082;
	s9 =	sld [smem:$0x3FB1]  }
0x2f: {  	lr =	sadd.s32 s0, s3;
	s0 =	sld [smem:$0x3FA8]  }
0x30: {  	s3 =	sld [smem:$0x3FAB]  }
0x31: {  	[smem:$0x3FB4] =	sst s10  }
0x32: {  	s10 =	sld [smem:$0x3FB2];
	_ =	sdelay $0x3  }
0x33: {  	p0 =	seq.s32 s10, $0x1;
	s10 =	sld [smem:$0x3FB4];
	_ =	sdelay $0x3  }
0x34: {  	[smem:$0x3FB4] =	sst s10  }
0x35: {  	s10 =	sld [smem:$0x3FB3];
	_ =	sdelay $0x3  }
0x36: {  	p1 =	seq.s32 s10, $0x1;
	s10 =	sld [smem:$0x3FB4];
	_ =	sdelay $0x3  }
0x37: {  	[smem:$0x3FB4] =	sst s10  }
0x38: {  	s10 =	sld [smem:$0x3FB5]  }
0x39: {  	_ = 	snop;
	(pc) =	sbr.ind lr, $3  }
0x3a: {  	_ = 	snop  }
0x3b: {  	_ = 	snop  }
0x3c: {  	p2 =	seq.s32 s10, $0x1;
	s10 =	sld [smem:$0x3FB4]  }
0x3d: {  	_ =	shalt  }
0x3e: {  	_ =	shalt  }
0x3f: {  	_ =	shalt  }
0x40: {  	_ =	shalt  }
0x41: {  	_ =	shalt  }
0x42: {  	_ =	shalt  }
0x43: {  	_ =	shalt  }
0x44: {  	_ =	shalt  }
0x45: {  	_ =	shalt  }
0x46: {  	_ =	shalt  }
0x47: {  	_ =	shalt  }
0x48: {  	_ =	shalt  }
0x49: {  	_ =	shalt  }
0x4a: {  	_ =	shalt  }
0x4b: {  	_ =	shalt  }
0x4c: {  	_ =	shalt  }
0x4d: {  	_ =	shalt  }
0x4e: {  	_ =	shalt  }
0x4f: {  	_ =	shalt  }
0x50: {  	_ =	shalt  }
0x51: {  	_ =	shalt  }
0x52: {  	_ =	shalt  }
0x53: {  	_ =	shalt  }
0x54: {  	_ =	shalt  }
0x55: {  	_ =	shalt  }
0x56: {  	_ =	shalt  }
0x57: {  	_ =	shalt  }
0x58: {  	_ =	shalt  }
0x59: {  	_ =	shalt  }
0x5a: {  	_ =	shalt  }
0x5b: {  	_ =	shalt  }
0x5c: {  	_ =	shalt  }
0x5d: {  	_ =	shalt  }
0x5e: {  	_ =	shalt  }
0x5f: {  	_ =	shalt  }
0x60: {  	_ =	shalt  }
0x61: {  	_ =	shalt  }
0x62: {  	_ =	shalt  }
0x63: {  	_ =	shalt  }
0x64: {  	_ =	shalt  }
0x65: {  	_ =	shalt  }
0x66: {  	_ =	shalt  }
0x67: {  	_ =	shalt  }
0x68: {  	_ =	shalt  }
0x69: {  	_ =	shalt  }
0x6a: {  	_ =	shalt  }
0x6b: {  	_ =	shalt  }
0x6c: {  	_ =	shalt  }
0x6d: {  	_ =	shalt  }
0x6e: {  	_ =	shalt  }
0x6f: {  	_ =	shalt  }
0x70: {  	_ =	shalt  }
0x71: {  	_ =	shalt  }
0x72: {  	_ =	shalt  }
0x73: {  	_ =	shalt  }
0x74: {  	_ =	shalt  }
0x75: {  	_ =	shalt  }
0x76: {  	_ =	shalt  }
0x77: {  	_ =	shalt  }
0x78: {  	_ =	shalt  }
0x79: {  	_ =	shalt  }
0x7a: {  	_ =	shalt  }
0x7b: {  	_ =	shalt  }
0x7c: {  	_ =	shalt  }
0x7d: {  	_ =	shalt  }
0x7e: {  	_ =	shalt  }
0x7f: {  	_ =	shalt  }
0x80: {  	_ =	shalt  }
0x81: {  	_ =	shalt  }
0x82: {  	_ =	shalt  }
0x83: {  	_ =	shalt  }
0x84: {  	_ =	shalt  }
0x85: {  	_ =	shalt  }
0x86: {  	_ =	shalt  }
0x87: {  	_ =	shalt  }
.Lfunc_end0:
.L_simem_size_0:
called_computation_lowered:
.L_overlay_start_0:
0x88: {  	s2 =	sld [smem:$0x3FD9]  }
0x89: {  	s3 =	sld [smem:$0x3FFE];
	_ =	sdelay $0x1  }
0x8a: {  	s1 =	srdreg.scid  }
0x8b: {  	s0 =	sand.u32 $0x1, s1  }
0x8c: {  	s16 =	sshll.u32 s0, $0xA;
	s2 =	sadd.s32 s3, s2  }
0x8d: {  	s2 =	sadd.s32 s2, s16  }
0x8e: {  	[smem:$0x3FC0] =	sst s2  }
0x8f: {  	_ = 	snop  }
0x90: {  	(tm) =	ssettm $0x1  }
0x91: {  	s17 =	sld [smem:$0x3FFB];
	_ =	sdelay $0x3  }
0x92: {  	_ =	strace s17  }
0x93: {  	s2 =	sld [smem:$0x3FFC];
	_ =	sdelay $0x3  }
0x94: {  	_ =	strace s2  }
0x95: {  	s2 =	sld [smem:$0x3FFD];
	_ =	sdelay $0x3  }
0x96: {  	_ =	strace s2  }
0x97: {  	_ =	strace $0x8FFFFFFF  }
0x98: {  	s18 =	sld [smem:$0x3FDB];
	_ =	sdelay $0x1  }
0x99: {  	s19 =	simm.s32 $_scs_section_size  }
0x9a: {  	s4 =	simm.s32 $_size__tile_overlayer_lowered;
	s5 =	simm.s32 $_tile_overlayer_lowered  }
0x9b: {  	s22 =	simm.s32 $0x1BFF;
	s21 =	sshll.u32 s5, $0x1;
	s2 =	sadd.s32 s19, s18  }
0x9c: {  	s6 =	simm.s32 $0x0;
	s20 =	sshll.u32 s4, $0x1;
	s4 =	sadd.s32 s21, s2  }
0x9d: {  	[timem:s6], [sflag:s22] =	dma.local [hbm:s4], s20  }
0x9e: {  	_ =	swait.ge [sflag:s22], s20  }
0x9f: {  	s3 =	ssub.s32 $0x0, s20;
	[sflag:s22] =	ssyncset.done $0x0  }
0xa0: {  	[sflag:s22] =	ssyncadd.s32 s3;
	_ =	sdelay $0x1  }
0xa1: {  	s23 =	simm.s32 $0x1B8B  }
0xa2: {  	_ =	swait.ge [sflag:s23], $0x1  }
0xa3: {  	[sflag:s23] =	ssyncset.done $0x0  }
0xa4: {  	s25 =	simm.s32 $0x1B8E;
	s24 =	sld [smem:$0x3FFE];
	[sflag:s23] =	ssyncadd.s32 $0xFFFFFFFF  }
0xa5: {  	s26 =	simm.s32 $execute0_lowered;
	[smem:$0x3FD2] =	sst s25  }
0xa6: {  	s4 =	sshll.u32 s26, $0x1;
	_ =	strace $0x80000046;
	[dreg:$0x1] =	wrdreg $0xFFFFFFFF  }
0xa7: {  	s28 =	simm.s32 $_size_execute0_lowered;
	s2 =	sadd.s32 s2, s4;
	[dreg:$0x0] =	wrdreg $0x0  }
0xa8: {  	s4 =	sshll.u32 s28, $0x1;
	[dreg:$0x2] =	wrdreg s2  }
0xa9: {  	[dreg:$0x3] =	wrdreg s4  }
0xaa: {  	[dreg:$0x4] =	wrdreg $0xC0  }
0xab: {  	_ =	task [dreg:s6], $0x5FFFF  }
0xac: {  	[dreg:$0x1] =	wrdreg $0xFFFFFFFF  }
0xad: {  	[dreg:$0x0] =	wrdreg $0x60  }
0xae: {  	[dreg:$0x2] =	wrdreg s24  }
0xaf: {  	[dreg:$0x3] =	wrdreg $0x9  }
0xb0: {  	_ =	task.clear_ibuf [dreg:s6], $0x4FFFF;
	_ =	strace $0x90000046  }
0xb1: {  	s29 =	simm.s32 $0x9;
	_ =	strace $0x80000048  }
0xb2: {  	_ =	swait.ge [sflag:s29], $0x1  }
0xb3: {  	[sflag:s29] =	ssyncadd.s32 $0xFFFFFFFF  }
0xb4: {  	_ =	strace $0x90000048  }
0xb5: {  	_ =	sfence  }
0xb6: {  	s30 =	sld [smem:$0x0];
	_ =	sdelay $0x2  }
0xb7: {  	s31 =	sshll.u32 s1, $0xD;
	s1 =	sshrl.u32 s1, $0x2  }
0xb8: {  	s3 =	sand.u32 $0x4000, s31;
	s1 =	sadd.s32 s1, s30  }
0xb9: {  	s0 =	sor.u32 s3, s0;
	s1 =	sshll.u32 s1, $0x11  }
0xba: {  	s0 =	sor.u32 s1, s0  }
0xbb: {  	s0 =	sadd.s32 $0x8F2B, s0  }
0xbc: {  	[sflag:s0] =	ssyncadd.remote.s32 $0x1  }
0xbd: {  	_ =	sfence.sel $0xFFFF  }
0xbe: {  	[dreg:$0x0] =	wrdreg $0xFFFFFFFF;
	(pc) =	sbr.abs _section_cstart, $3  }
0xbf: {  	[dreg:$0x1] =	wrdreg $0xFFFFFFFF  }
0xc0: {  	_ =	task.clear_ibuf [dreg:s6], $0x2FFFF;
	_ =	strace $0x9FFFFFFF  }
0xc1: {  	(tm) =	ssettm $0x7FFFFFFF  }
tec
execute0_lowered:
.L_overlay_start_1:
0x0: {  	(tag) =	ssettag $0x1  }
0x1: {  	s0 =	srdreg.scid  }
0x2: {  	s5 =	rddreg [dreg:$0x0];
	s2 =	simm.s32 $0x0;
	s12 =	simm.s32 $0x5480  }
0x3: {  	s13 =	simm.s32 $0x5200;
	s3 =	sand.u32 $0x1, s0;
	s0 =	stileid.u32  }
0x4: {  	s14 =	simm.s32 $0x0;
	[smem:$0x7FF] =	sst s2;
	s7 =	smul.u32 $0x280, s0  }
0x5: {  	s10 =	sadd.s32 $0xC400, s5;
	s1 =	sshll.u32 s3, $0x4;
	s8 =	smul.u32 $0x2800, s3  }
0x6: {  	s9 =	smul.u32 $0x28000, s3;
	s3 =	ssub.s32 $0x2, s3;
	s4 =	sor.u32 s0, s1  }
0x7: {  	s1 =	rddreg [dreg:$0x1];
	_ =	strace $0x80000047;
	s6 =	smul.u32 $0x540, s4  }
0x8: {  	s11 =	sshrl.u32 s3, $0x1;
	s8 =	sadd.s32 s7, s8;
	s4 =	smul.u32 $0x500, s4  }
0x9: {  	s7 =	sor.u32 s7, s9;
	s30 =	ssub.s32 s3, s11;
	s9 =	simm.s32 $0x2A00  }
0xa: {  	s11 =	simm.s32 $0x2800;
	s8 =	sshrl.u32 s8, $0x3;
	s31 =	sshrl.u32 s7, $0x3  }
0xb: {  	s7 =	smax.u32 s30, $0x1;
	s6 =	sadd.s32 s6, s5;
	s8 =	sadd.s32 s8, s5  }
0xc: {  	s4 =	sadd.s32 s10, s4;
	s5 =	sadd.s32 s10, s31;
	s10 =	simm.s32 $0x280  }
0xd: {  	v0 =	vimm.f32 $0.0e+00;
	v1 =	vimm.f32 $1.000000000e+00;
	s3 =	sadd.s32 $0x1C00, s6;
	s6 =	sadd.s32 $0x16400, s8;
	s8 =	simm.s32 $0x1  }
.LBB2_1:
0xe: {  	[tilespmem:s2], [sflag:$0x1] =	stream.linear.gather [hbm4b:s3+s2], $0x2A00, $0x38;
	[tilespmem:$0x7C80] =	vst v63  }
0xf: {  	_ =	swait.ge [sflag:s8], $0x2A00  }
0x10: {  	[sflag:s8] =	ssyncset.done $0x0  }
0x11: {  	s15 =	simm.s32 $0x0;
	[sflag:s8] =	ssyncadd.s32 $0xFFFFD600  }
.LBB2_2:
0x12: {  	p0 =	sne.s32 s15, $0x9FC0  }
.Ltmp0:
0x13: {  	_ = 	snop;
	(pc) =	sbr.rel @p0 .LBB2_2-.Ltmp0, $3  }
0x14: {  	_ =	sdelay $0x1  }
0x15: {  	s16 =	sshra.s32 s15, $0x2  }
0x16: {  	s15 =	sadd.s32 $0x40, s15;
	[tilespmem:s16+$0x2A00] =	vst v0  }
0x17: {  	s15 =	simm.s32 $0x0  }
0x18: {  	s15 =	smul.u32 $0xAAAB, s15;
	_ =	sdelay $0x1  }
0x19: {  	s15 =	sshrl.u32 s15, $0x12  }
0x1a: {  	s16 =	smul.u32 $0x6, s15;
	_ =	sdelay $0x1  }
0x1b: {  	s15 =	smul.u32 $0x180, s15;
	s16 =	ssub.s32 $0x0, s16  }
0x1c: {  	s16 =	sand.u32 $0xFFFF, s16  }
0x1d: {  	s17 =	sshrl.u32 s15, $0x2;
	s16 =	sshll.u32 s16, $0x4  }
0x1e: {  	s16 =	sadd.s32 s16, s17  }
0x1f: {  	v2 =	vld [tilespmem:s16+$0x0]  }
0x20: {  	s15 =	simm.s32 $0x1  }
0x21: {  	s17 =	smul.u32 $0xAAAB, s15;
	s16 =	simm.s32 $0x2  }
.LBB2_4:
0x22: {  	p0 =	sne.s32 s16, $0x29F  }
0x23: {  	s17 =	sshrl.u32 s17, $0x12  }
0x24: {  	s18 =	smul.u32 $0x6, s17;
	v2 =	vand.u32 $0x3FFF, v2;
	_ =	sdelay $0x1  }
0x25: {  	s17 =	smul.u32 $0x180, s17;
	s18 =	ssub.s32 s15, s18;
	s15 =	smov.u32 s16  }
0x26: {  	s18 =	sand.u32 $0xFFFF, s18  }
.Ltmp1:
0x27: {  	s17 =	sshrl.u32 s17, $0x2;
	s18 =	sshll.u32 s18, $0x4;
	(pc) =	sbr.rel @p0 .LBB2_4-.Ltmp1, $3  }
0x28: {  	s17 =	sadd.s32 s18, s17;
	[tilespmem:v2+s9+$0x0] =	vst.idx.add.f32.msk $0xffff, v1  }
0x29: {  	v2 =	vld [tilespmem:s17+$0x0];
	_ =	sdelay $0x1  }
0x2a: {  	s16 =	sadd.s32 $0x1, s16;
	s17 =	smul.u32 $0xAAAB, s15  }
0x2b: {  	_ = 	snop  }
0x2c: {  	s16 =	sshrl.u32 s17, $0x12  }
0x2d: {  	s17 =	smul.u32 $0x6, s16;
	v2 =	vand.u32 $0x3FFF, v2;
	_ =	sdelay $0x1  }
0x2e: {  	s16 =	smul.u32 $0x180, s16;
	s15 =	ssub.s32 s15, s17  }
0x2f: {  	s15 =	sand.u32 $0xFFFF, s15  }
0x30: {  	s16 =	sshrl.u32 s16, $0x2;
	s15 =	sshll.u32 s15, $0x4  }
0x31: {  	s15 =	sadd.s32 s15, s16;
	[tilespmem:v2+s9+$0x0] =	vst.idx.add.f32.msk $0xffff, v1  }
0x32: {  	v2 =	vld [tilespmem:s15+$0x0];
	_ =	sdelay $0x4  }
0x33: {  	v2 =	vand.u32 $0x3FFF, v2;
	_ =	sdelay $0x4  }
0x34: {  	s31 =	simm.s32 $0x0;
	[tilespmem:v2+s9+$0x0] =	vst.idx.add.f32.msk $0xffff, v1  }
0x35: {  	[hbm4b:s4+s31] =	stream.linear.scatter [tilespmem:s9], [sflag:$0x1], $0x2800, $0x38;
	[tilespmem:$0x7C80] =	vst v63  }
0x36: {  	_ =	swait.ge [sflag:s8], $0x2800  }
0x37: {  	[sflag:s8] =	ssyncset.done $0x0  }
0x38: {  	[sflag:s8] =	ssyncadd.s32 $0xFFFFD800  }
0x39: {  	[bflag:$0x0] =	sbarrier.arrive $0xFFFF  }
0x3a: {  	[tilespmem:s12], [sflag:$0x1] =	stream.strided.gather [hbm4b:s5+s10], $0x2800, s11, s10, $0x38;
	[tilespmem:$0x7C80] =	vst v63  }
0x3b: {  	_ =	swait.ge [sflag:s8], $0x2800  }
0x3c: {  	[sflag:s8] =	ssyncset.done $0x0  }
0x3d: {  	s16 =	simm.s32 $0x0;
	[sflag:s8] =	ssyncadd.s32 $0xFFFFD800  }
0x3e: {  	v2 =	vld [tilespmem:s16+$0x5480]  }
0x3f: {  	v3 =	vld [tilespmem:s16+$0x5700];
	_ =	sdelay $0x1  }
0x40: {  	v4 =	vld [tilespmem:s16+$0x5980];
	_ =	sdelay $0x1  }
0x41: {  	v5 =	vld [tilespmem:s16+$0x5C00]  }
0x42: {  	v2 =	vadd.f32 v3, v2  }
0x43: {  	v3 =	vld [tilespmem:s16+$0x5E80]  }
0x44: {  	v2 =	vadd.f32 v4, v2  }
0x45: {  	v4 =	vld [tilespmem:s16+$0x6100]  }
0x46: {  	v2 =	vadd.f32 v5, v2  }
0x47: {  	v5 =	vld [tilespmem:s16+$0x6380]  }
0x48: {  	v2 =	vadd.f32 v3, v2  }
0x49: {  	v3 =	vld [tilespmem:s16+$0x6600]  }
0x4a: {  	s15 =	simm.s32 $0x10;
	v6 =	vld [tilespmem:s16+$0x6880];
	v2 =	vadd.f32 v4, v2  }
0x4b: {  	v7 =	vld [tilespmem:s15+$0x5480]  }
0x4c: {  	v4 =	vld [tilespmem:s16+$0x6B00];
	v2 =	vadd.f32 v5, v2  }
0x4d: {  	v5 =	vld [tilespmem:s15+$0x5700]  }
0x4e: {  	v8 =	vld [tilespmem:s15+$0x5980];
	v2 =	vadd.f32 v3, v2  }
0x4f: {  	v3 =	vld [tilespmem:s16+$0x6D80]  }
0x50: {  	v9 =	vld [tilespmem:s15+$0x5C00];
	v2 =	vadd.f32 v6, v2  }
0x51: {  	v6 =	vld [tilespmem:s16+$0x7000]  }
0x52: {  	v5 =	vadd.f32 v5, v7;
	v7 =	vld [tilespmem:s15+$0x5E80];
	v2 =	vadd.f32 v4, v2  }
0x53: {  	v4 =	vld [tilespmem:s16+$0x7280]  }
0x54: {  	v5 =	vadd.f32 v8, v5;
	v8 =	vld [tilespmem:s15+$0x6100];
	v2 =	vadd.f32 v3, v2  }
0x55: {  	v3 =	vld [tilespmem:s16+$0x7500]  }
0x56: {  	v10 =	vld [tilespmem:s15+$0x6380];
	v5 =	vadd.f32 v9, v5;
	v2 =	vadd.f32 v6, v2  }
0x57: {  	v9 =	vld [tilespmem:s16+$0x7780]  }
0x58: {  	v6 =	vadd.f32 v7, v5;
	v5 =	vld [tilespmem:s15+$0x6600];
	v7 =	vadd.f32 v4, v2  }
0x59: {  	v4 =	vld [tilespmem:s16+$0x7A00]  }
0x5a: {  	v2 =	vld [tilespmem:s15+$0x6B00];
	v8 =	vadd.f32 v8, v6;
	v11 =	vadd.f32 v3, v7  }
0x5b: {  	s17 =	simm.s32 $0x20;
	v6 =	vld [tilespmem:s15+$0x6880]  }
0x5c: {  	s18 =	simm.s32 $0xC0;
	v3 =	vld [tilespmem:s17+$0x5480];
	v7 =	vadd.f32 v10, v8;
	v8 =	vadd.f32 v9, v11  }
.LBB2_6:
0x5d: {  	p0 =	sne.s32 s18, $0x9C0;
	v9 =	vld [tilespmem:s17+$0x5700]  }
0x5e: {  	v5 =	vadd.f32 v5, v7;
	v7 =	vld [tilespmem:s15+$0x6D80];
	v4 =	vadd.f32 v4, v8  }
0x5f: {  	v8 =	vld [tilespmem:s17+$0x5980]  }
0x60: {  	v5 =	vadd.f32 v6, v5;
	v6 =	vld [tilespmem:s15+$0x7000];
	[tilespmem:s16+$0x5200] =	vst v4;
	s16 =	smov.u32 s15;
	s15 =	smov.u32 s17  }
0x61: {  	v4 =	vld [tilespmem:s15+$0x5C00]  }
0x62: {  	v3 =	vadd.f32 v9, v3;
	v2 =	vadd.f32 v2, v5;
	v5 =	vld [tilespmem:s16+$0x7280]  }
0x63: {  	v9 =	vld [tilespmem:s15+$0x5E80]  }
0x64: {  	v3 =	vadd.f32 v8, v3;
	v2 =	vadd.f32 v7, v2;
	v7 =	vld [tilespmem:s16+$0x7500]  }
0x65: {  	v8 =	vld [tilespmem:s15+$0x6100]  }
0x66: {  	v3 =	vadd.f32 v4, v3;
	v2 =	vadd.f32 v6, v2;
	v10 =	vld [tilespmem:s16+$0x7780]  }
0x67: {  	v11 =	vld [tilespmem:s15+$0x6380]  }
.Ltmp2:
0x68: {  	v3 =	vadd.f32 v9, v3;
	v6 =	vadd.f32 v5, v2;
	v4 =	vld [tilespmem:s16+$0x7A00];
	(pc) =	sbr.rel @p0 .LBB2_6-.Ltmp2, $4  }
0x69: {  	v5 =	vld [tilespmem:s15+$0x6600]  }
0x6a: {  	v8 =	vadd.f32 v8, v3;
	v2 =	vld [tilespmem:s15+$0x6B00];
	v9 =	vadd.f32 v7, v6  }
0x6b: {  	s17 =	sshra.s32 s18, $0x2;
	v6 =	vld [tilespmem:s15+$0x6880]  }
0x6c: {  	s18 =	sadd.s32 $0x40, s18;
	v3 =	vld [tilespmem:s17+$0x5480];
	v7 =	vadd.f32 v11, v8;
	v8 =	vadd.f32 v10, v9  }
0x6d: {  	v9 =	vld [tilespmem:s17+$0x5700]  }
0x6e: {  	v10 =	vld [tilespmem:s15+$0x6D80];
	v4 =	vadd.f32 v4, v8  }
0x6f: {  	v49 =	vld [tilespmem:s17+$0x5980]  }
0x70: {  	v11 =	vld [tilespmem:s15+$0x7000];
	v5 =	vadd.f32 v5, v7;
	[tilespmem:s16+$0x5200] =	vst v4  }
0x71: {  	v4 =	vld [tilespmem:s17+$0x5C00]  }
0x72: {  	v5 =	vadd.f32 v6, v5;
	v3 =	vadd.f32 v9, v3  }
0x73: {  	v50 =	vld [tilespmem:s17+$0x5E80]  }
0x74: {  	v51 =	vld [tilespmem:s15+$0x7280];
	v2 =	vadd.f32 v2, v5;
	v3 =	vadd.f32 v49, v3  }
0x75: {  	v52 =	vld [tilespmem:s17+$0x6100]  }
0x76: {  	v53 =	vld [tilespmem:s15+$0x7500];
	v2 =	vadd.f32 v10, v2;
	v3 =	vadd.f32 v4, v3  }
0x77: {  	v54 =	vld [tilespmem:s17+$0x6380]  }
0x78: {  	v55 =	vld [tilespmem:s15+$0x7780];
	v2 =	vadd.f32 v11, v2;
	v3 =	vadd.f32 v50, v3  }
0x79: {  	v56 =	vld [tilespmem:s17+$0x6600]  }
0x7a: {  	v57 =	vld [tilespmem:s15+$0x7A00];
	v2 =	vadd.f32 v51, v2;
	v3 =	vadd.f32 v52, v3  }
0x7b: {  	v58 =	vld [tilespmem:s17+$0x6880]  }
0x7c: {  	v2 =	vadd.f32 v53, v2;
	v3 =	vadd.f32 v54, v3  }
0x7d: {  	v59 =	vld [tilespmem:s17+$0x6B00]  }
0x7e: {  	v2 =	vadd.f32 v55, v2;
	v3 =	vadd.f32 v56, v3  }
0x7f: {  	v60 =	vld [tilespmem:s17+$0x6D80]  }
0x80: {  	v2 =	vadd.f32 v57, v2;
	v3 =	vadd.f32 v58, v3  }
0x81: {  	v61 =	vld [tilespmem:s17+$0x7000]  }
0x82: {  	[tilespmem:s15+$0x5200] =	vst v2;
	v2 =	vadd.f32 v59, v3  }
0x83: {  	v3 =	vld [tilespmem:s17+$0x7280]  }
0x84: {  	v2 =	vadd.f32 v60, v2  }
0x85: {  	v62 =	vld [tilespmem:s17+$0x7500]  }
0x86: {  	v2 =	vadd.f32 v61, v2  }
0x87: {  	v63 =	vld [tilespmem:s17+$0x7780]  }
0x88: {  	v2 =	vadd.f32 v3, v2  }
0x89: {  	v3 =	vld [tilespmem:s17+$0x7A00]  }
0x8a: {  	v2 =	vadd.f32 v62, v2;
	_ =	sdelay $0x1  }
0x8b: {  	v2 =	vadd.f32 v63, v2;
	_ =	sdelay $0x1  }
0x8c: {  	s14 =	sadd.s32 $0x1, s14;
	v2 =	vadd.f32 v3, v2  }
0x8d: {  	p0 =	sne.s32 s14, s7  }
.Ltmp3:
0x8e: {  	[tilespmem:s17+$0x5200] =	vst v2;
	(pc) =	sbr.rel @p0 .LBB2_1-.Ltmp3, $4  }
0x8f: {  	[hbm4b:s6+s2] =	stream.linear.scatter [tilespmem:s13], [sflag:$0x1], $0x280, $0x38;
	[tilespmem:$0x7C80] =	vst v63  }
0x90: {  	_ =	swait.ge [sflag:s8], $0x280  }
0x91: {  	[sflag:s8] =	ssyncset.done $0x0  }
0x92: {  	[sflag:s8] =	ssyncadd.s32 $0xFFFFFD80  }
0x93: {  	_ =	sfence.sel $0x180000  }
0x94: {  	[bflag:$0x0] =	sbarrier.arrive $0xFFFF  }
0x95: {  	p0 =	sne.s32 s0, $0x0;
	_ =	strace $0x90000047  }
0x96: {  	s0 =	sadd.s32 @!p0 $0x100000, s1;
	[bflag:$0x2] =	sbarrier.arrive $0xFFFF  }
0x97: {  	[sflag:s0] =	ssyncadd.tile.s32 @!p0 $0x1;
	_ =	shalt  }
.Lfunc_end2:
_tile_overlayer_lowered:
.L_overlay_start_2:
0x98: {  	(tag) =	ssettag $0x2  }
0x99: {  	s0 =	rddreg [dreg:$0x0];
	s2 =	stileid.u32  }
0x9a: {  	s1 =	rddreg [dreg:$0x1];
	p0 =	sne.s32 s2, $0x0  }
0x9b: {  	s3 =	rddreg [dreg:$0x2];
	[bflag:$0x3] =	sbarrier.arrive $0xFFFF;
	s2 =	simm.s32 @!p0 $0x1C01  }
0x9c: {  	[timem:s3], [sflag:s2] =	dma.local @!p0 [hbm:s0], s1  }
0x9d: {  	s0 =	simm.s32 @!p0 $0x1  }
0x9e: {  	_ =	swait.ge @!p0 [sflag:s0], s1  }
0x9f: {  	s1 =	ssub.s32 @!p0 $0x0, s1;
	[sflag:s0] =	ssyncset.done @!p0 $0x0  }
0xa0: {  	[sflag:s0] =	ssyncadd.s32 @!p0 s1  }
0xa1: {  	[bflag:$0x3] =	sbarrier.arrive $0xFFFF  }
0xa2: {  	_ =	shalt  }

// kernel: kernel.9.cloned.1.call-start
scs
__scs_entry_jumppad:
0x0: {  	(pc) =	sbr.rel $0x88, $3  }
0x1: {  	(tag) =	ssettag $0x0;
	lr =	simm.s32 $0x1  }
0x2: {  	[smem:$0x3F99] =	sst lr;
	_ =	strace $0xD0000000  }
0x3: {  	_ = 	snop  }
0x4: {  	_ = 	snop  }
0x5: {  	_ = 	snop  }
0x6: {  	_ = 	snop  }
0x7: {  	_ = 	snop  }
__scs_overlays_trampoline_lowered:
0x8: {  	[smem:$0x3FA8] =	sst s0  }
0x9: {  	[smem:$0x3FA9] =	sst s1  }
0xa: {  	[smem:$0x3FAA] =	sst s2  }
0xb: {  	[smem:$0x3FAB] =	sst s3  }
0xc: {  	[smem:$0x3FAC] =	sst s4  }
0xd: {  	[smem:$0x3FAD] =	sst s5  }
0xe: {  	[smem:$0x3FAE] =	sst s6  }
0xf: {  	[smem:$0x3FAF] =	sst s7  }
0x10: {  	[smem:$0x3FB0] =	sst s8  }
0x11: {  	[smem:$0x3FB1] =	sst s9;
	s0 =	simm.s32 @!p0 $0x0  }
0x12: {  	s1 =	sld [smem:$0x3F97];
	s0 =	simm.s32 @p0 $0x1  }
0x13: {  	[smem:$0x3FB2] =	sst s0;
	s0 =	simm.s32 @!p1 $0x0  }
0x14: {  	s2 =	sld [smem:$0x3F96];
	s0 =	simm.s32 @p1 $0x1  }
0x15: {  	[smem:$0x3FB3] =	sst s0;
	s0 =	simm.s32 @!p2 $0x0  }
0x16: {  	s3 =	sld [smem:$0x3FDB];
	s0 =	simm.s32 @p2 $0x1  }
0x17: {  	s4 =	simm.s32 $0x1BF5;
	[smem:$0x3FB5] =	sst s0  }
0x18: {  	s0 =	sld [smem:$0x3F98];
	_ =	swait.ge [sflag:s4], $0x0  }
0x19: {  	s7 =	sld [smem:$0x3F99]  }
0x1a: {  	s8 =	sadd.s32 $0xFFFFE003, lr  }
0x1b: {  	s9 =	sadd.s32 $0xFFFFFEF7, lr;
	s5 =	simm.s32 $0xFFFFFFFF;
	p2 =	slt.u32 s8, $0xFFFFF086  }
0x1c: {  	p1 =	slt.u32 s9, $0xF7A;
	s5 =	simm.s32 @!p2 $0x0  }
0x1d: {  	s5 =	simm.s32 @p1 $0x1;
	p0 =	seq.s32 s7, s2  }
0x1e: {  	s7 =	smul.u32 @!p0 $0xF7A, s2;
	p2 =	seq.s32 @!p0 s5, $0x0  }
0x1f: {  	s9 =	smul.u32 $0xF7A, s1;
	s8 =	simm.s32 @!p0 $0x1BF5;
	p2 =	por !p2, p0  }
0x20: {  	[sflag:s8] =	ssyncset.s32 @!p0 $0xFFFFF086;
	s6 =	sadd.s32 @!p0 s3, s7;
	s7 =	simm.s32 @!p0 $0x108  }
0x21: {  	s3 =	sadd.s32 s3, s9;
	s6 =	sadd.s32 @!p0 $0x88, s6;
	s7 =	simm.s32 @p2 $0x1082  }
0x22: {  	[simem:s7], [sflag:s8] =	dma.local @!p0 [hbm:s6], $0xF7A  }
0x23: {  	s9 =	sor.u32 $0xD0000000, s2;
	s6 =	simm.s32 $0x108;
	_ =	swait.ge @!p0 [sflag:s8], $0x0  }
0x24: {  	s3 =	sadd.s32 $0x88, s3;
	s6 =	simm.s32 @!p1 $0x1082;
	[sflag:s4] =	ssyncset.s32 $0xFFFFF086  }
0x25: {  	[simem:s6], [sflag:s4] =	dma.local [hbm:s3], $0xF7A  }
0x26: {  	[smem:$0x3F99] =	sst s1;
	(tag) =	ssettag s2;
	_ =	strace s9  }
0x27: {  	s1 =	sld [smem:$0x3FA9]  }
0x28: {  	s2 =	sld [smem:$0x3FAA]  }
0x29: {  	s4 =	sld [smem:$0x3FAC]  }
0x2a: {  	p0 =	seq.s32 s5, $0x0;
	s5 =	sld [smem:$0x3FAD]  }
0x2b: {  	s6 =	sld [smem:$0x3FAE]  }
0x2c: {  	s7 =	sld [smem:$0x3FAF]  }
0x2d: {  	s3 =	simm.s32 $0x108;
	s8 =	sld [smem:$0x3FB0]  }
0x2e: {  	s3 =	simm.s32 @!p0 $0x1082;
	s9 =	sld [smem:$0x3FB1]  }
0x2f: {  	lr =	sadd.s32 s0, s3;
	s0 =	sld [smem:$0x3FA8]  }
0x30: {  	s3 =	sld [smem:$0x3FAB]  }
0x31: {  	[smem:$0x3FB4] =	sst s10  }
0x32: {  	s10 =	sld [smem:$0x3FB2];
	_ =	sdelay $0x3  }
0x33: {  	p0 =	seq.s32 s10, $0x1;
	s10 =	sld [smem:$0x3FB4];
	_ =	sdelay $0x3  }
0x34: {  	[smem:$0x3FB4] =	sst s10  }
0x35: {  	s10 =	sld [smem:$0x3FB3];
	_ =	sdelay $0x3  }
0x36: {  	p1 =	seq.s32 s10, $0x1;
	s10 =	sld [smem:$0x3FB4];
	_ =	sdelay $0x3  }
0x37: {  	[smem:$0x3FB4] =	sst s10  }
0x38: {  	s10 =	sld [smem:$0x3FB5]  }
0x39: {  	_ = 	snop;
	(pc) =	sbr.ind lr, $3  }
0x3a: {  	_ = 	snop  }
0x3b: {  	_ = 	snop  }
0x3c: {  	p2 =	seq.s32 s10, $0x1;
	s10 =	sld [smem:$0x3FB4]  }
0x3d: {  	_ =	shalt  }
0x3e: {  	_ =	shalt  }
0x3f: {  	_ =	shalt  }
0x40: {  	_ =	shalt  }
0x41: {  	_ =	shalt  }
0x42: {  	_ =	shalt  }
0x43: {  	_ =	shalt  }
0x44: {  	_ =	shalt  }
0x45: {  	_ =	shalt  }
0x46: {  	_ =	shalt  }
0x47: {  	_ =	shalt  }
0x48: {  	_ =	shalt  }
0x49: {  	_ =	shalt  }
0x4a: {  	_ =	shalt  }
0x4b: {  	_ =	shalt  }
0x4c: {  	_ =	shalt  }
0x4d: {  	_ =	shalt  }
0x4e: {  	_ =	shalt  }
0x4f: {  	_ =	shalt  }
0x50: {  	_ =	shalt  }
0x51: {  	_ =	shalt  }
0x52: {  	_ =	shalt  }
0x53: {  	_ =	shalt  }
0x54: {  	_ =	shalt  }
0x55: {  	_ =	shalt  }
0x56: {  	_ =	shalt  }
0x57: {  	_ =	shalt  }
0x58: {  	_ =	shalt  }
0x59: {  	_ =	shalt  }
0x5a: {  	_ =	shalt  }
0x5b: {  	_ =	shalt  }
0x5c: {  	_ =	shalt  }
0x5d: {  	_ =	shalt  }
0x5e: {  	_ =	shalt  }
0x5f: {  	_ =	shalt  }
0x60: {  	_ =	shalt  }
0x61: {  	_ =	shalt  }
0x62: {  	_ =	shalt  }
0x63: {  	_ =	shalt  }
0x64: {  	_ =	shalt  }
0x65: {  	_ =	shalt  }
0x66: {  	_ =	shalt  }
0x67: {  	_ =	shalt  }
0x68: {  	_ =	shalt  }
0x69: {  	_ =	shalt  }
0x6a: {  	_ =	shalt  }
0x6b: {  	_ =	shalt  }
0x6c: {  	_ =	shalt  }
0x6d: {  	_ =	shalt  }
0x6e: {  	_ =	shalt  }
0x6f: {  	_ =	shalt  }
0x70: {  	_ =	shalt  }
0x71: {  	_ =	shalt  }
0x72: {  	_ =	shalt  }
0x73: {  	_ =	shalt  }
0x74: {  	_ =	shalt  }
0x75: {  	_ =	shalt  }
0x76: {  	_ =	shalt  }
0x77: {  	_ =	shalt  }
0x78: {  	_ =	shalt  }
0x79: {  	_ =	shalt  }
0x7a: {  	_ =	shalt  }
0x7b: {  	_ =	shalt  }
0x7c: {  	_ =	shalt  }
0x7d: {  	_ =	shalt  }
0x7e: {  	_ =	shalt  }
0x7f: {  	_ =	shalt  }
0x80: {  	_ =	shalt  }
0x81: {  	_ =	shalt  }
0x82: {  	_ =	shalt  }
0x83: {  	_ =	shalt  }
0x84: {  	_ =	shalt  }
0x85: {  	_ =	shalt  }
0x86: {  	_ =	shalt  }
0x87: {  	_ =	shalt  }
.Lfunc_end0:
.L_simem_size_0:
called_computation.1_lowered:
.L_overlay_start_0:
0x88: {  	s2 =	sld [smem:$0x3FD9]  }
0x89: {  	s3 =	sld [smem:$0x3FFE];
	_ =	sdelay $0x1  }
0x8a: {  	s1 =	srdreg.scid  }
0x8b: {  	s0 =	sand.u32 $0x1, s1  }
0x8c: {  	s16 =	sshll.u32 s0, $0xA;
	s2 =	sadd.s32 s3, s2  }
0x8d: {  	s2 =	sadd.s32 s2, s16  }
0x8e: {  	[smem:$0x3FC0] =	sst s2  }
0x8f: {  	_ = 	snop  }
0x90: {  	(tm) =	ssettm $0x1  }
0x91: {  	s17 =	sld [smem:$0x3FFB];
	_ =	sdelay $0x3  }
0x92: {  	_ =	strace s17  }
0x93: {  	s2 =	sld [smem:$0x3FFC];
	_ =	sdelay $0x3  }
0x94: {  	_ =	strace s2  }
0x95: {  	s2 =	sld [smem:$0x3FFD];
	_ =	sdelay $0x3  }
0x96: {  	_ =	strace s2  }
0x97: {  	_ =	strace $0x8FFFFFFF  }
0x98: {  	s18 =	sld [smem:$0x3FDB];
	_ =	sdelay $0x1  }
0x99: {  	s19 =	simm.s32 $_scs_section_size  }
0x9a: {  	s4 =	simm.s32 $_size__tile_overlayer_lowered;
	s5 =	simm.s32 $_tile_overlayer_lowered  }
0x9b: {  	s22 =	simm.s32 $0x1BFF;
	s21 =	sshll.u32 s5, $0x1;
	s2 =	sadd.s32 s19, s18  }
0x9c: {  	s6 =	simm.s32 $0x0;
	s20 =	sshll.u32 s4, $0x1;
	s4 =	sadd.s32 s21, s2  }
0x9d: {  	[timem:s6], [sflag:s22] =	dma.local [hbm:s4], s20  }
0x9e: {  	_ =	swait.ge [sflag:s22], s20  }
0x9f: {  	s3 =	ssub.s32 $0x0, s20;
	[sflag:s22] =	ssyncset.done $0x0  }
0xa0: {  	[sflag:s22] =	ssyncadd.s32 s3;
	_ =	sdelay $0x1  }
0xa1: {  	s23 =	simm.s32 $0x1B8B  }
0xa2: {  	_ =	swait.ge [sflag:s23], $0x1  }
0xa3: {  	[sflag:s23] =	ssyncset.done $0x0  }
0xa4: {  	s25 =	simm.s32 $0x1B8E;
	s24 =	sld [smem:$0x3FFE];
	[sflag:s23] =	ssyncadd.s32 $0xFFFFFFFF  }
0xa5: {  	s26 =	simm.s32 $execute0_lowered;
	[smem:$0x3FD2] =	sst s25  }
0xa6: {  	s4 =	sshll.u32 s26, $0x1;
	_ =	strace $0x80000049;
	[dreg:$0x1] =	wrdreg $0xFFFFFFFF  }
0xa7: {  	s28 =	simm.s32 $_size_execute0_lowered;
	s2 =	sadd.s32 s2, s4;
	[dreg:$0x0] =	wrdreg $0x0  }
0xa8: {  	s4 =	sshll.u32 s28, $0x1;
	[dreg:$0x2] =	wrdreg s2  }
0xa9: {  	[dreg:$0x3] =	wrdreg s4  }
0xaa: {  	[dreg:$0x4] =	wrdreg $0xC0  }
0xab: {  	_ =	task [dreg:s6], $0x5FFFF  }
0xac: {  	[dreg:$0x1] =	wrdreg $0xFFFFFFFF  }
0xad: {  	[dreg:$0x0] =	wrdreg $0x60  }
0xae: {  	[dreg:$0x2] =	wrdreg s24  }
0xaf: {  	[dreg:$0x3] =	wrdreg $0x90000  }
0xb0: {  	[dreg:$0x4] =	wrdreg $0x9  }
0xb1: {  	_ =	task.clear_ibuf [dreg:s6], $0x5FFFF;
	_ =	strace $0x90000049  }
0xb2: {  	s29 =	simm.s32 $0x9;
	_ =	strace $0x8000004B  }
0xb3: {  	_ =	swait.ge [sflag:s29], $0x1  }
0xb4: {  	[sflag:s29] =	ssyncadd.s32 $0xFFFFFFFF  }
0xb5: {  	_ =	strace $0x9000004B  }
0xb6: {  	_ =	sfence  }
0xb7: {  	s30 =	sld [smem:$0x0];
	_ =	sdelay $0x2  }
0xb8: {  	s31 =	sshll.u32 s1, $0xD;
	s1 =	sshrl.u32 s1, $0x2  }
0xb9: {  	s3 =	sand.u32 $0x4000, s31;
	s1 =	sadd.s32 s1, s30  }
0xba: {  	s0 =	sor.u32 s3, s0;
	s1 =	sshll.u32 s1, $0x11  }
0xbb: {  	s0 =	sor.u32 s1, s0  }
0xbc: {  	s0 =	sadd.s32 $0x8F2B, s0  }
0xbd: {  	[sflag:s0] =	ssyncadd.remote.s32 $0x1  }
0xbe: {  	_ =	sfence.sel $0xFFFF  }
0xbf: {  	[dreg:$0x0] =	wrdreg $0xFFFFFFFF;
	(pc) =	sbr.abs _section_cstart, $3  }
0xc0: {  	[dreg:$0x1] =	wrdreg $0xFFFFFFFF  }
0xc1: {  	_ =	task.clear_ibuf [dreg:s6], $0x2FFFF;
	_ =	strace $0x9FFFFFFF  }
0xc2: {  	(tm) =	ssettm $0x7FFFFFFF  }
0xc3: {  	_ =	shalt  }
tec
execute0_lowered:
.L_overlay_start_1:
0x0: {  	(tag) =	ssettag $0x1  }
0x1: {  	s0 =	rddreg [dreg:$0x0]  }
0x2: {  	s1 =	srdreg.scid;
	s9 =	stileid.u32  }
0x3: {  	s2 =	rddreg [dreg:$0x1];
	s3 =	simm.s32 $0x0;
	s18 =	simm.s32 $0x5  }
0x4: {  	s19 =	simm.s32 $0x3000;
	s20 =	simm.s32 $0x60;
	s28 =	simm.s32 $0x4  }
0x5: {  	s29 =	simm.s32 $0x0;
	s1 =	sand.u32 $0x1, s1;
	s6 =	smul.u32 $0x14000, s9  }
0x6: {  	[smem:$0x7FF] =	sst s3;
	s7 =	sadd.s32 $0x1C00, s0;
	s24 =	smul.u32 $0x2A00, s9  }
0x7: {  	s4 =	smul.u32 $0x140000, s1;
	_ =	strace $0x8000004A;
	s8 =	ssub.s32 $0x2, s1  }
0x8: {  	s23 =	sshll.u32 s1, $0x4;
	p0 =	seq.s32 s1, $0x0;
	s22 =	sshrl.u32 s8, $0x1  }
0x9: {  	s25 =	sor.u32 s9, s23;
	s9 =	smul.u32 $0x50000, s9;
	s23 =	simm.s32 $0x6000  }
0xa: {  	s4 =	sadd.s32 s6, s4;
	s17 =	ssub.s32 s8, s22;
	s1 =	smul.u32 $0x540, s25  }
0xb: {  	s8 =	sshrl.u32 s24, $0x3;
	s24 =	simm.s32 $0x1;
	s25 =	simm.s32 $0x2  }
0xc: {  	s5 =	sshrl.u32 s4, $0x3;
	s4 =	sadd.s32 $0xC400, s0;
	s8 =	sadd.s32 s7, s8  }
0xd: {  	s9 =	sshrl.u32 s9, $0x2;
	s17 =	smax.u32 s17, $0x1;
	s0 =	sadd.s32 s5, s0  }
0xe: {  	s5 =	simm.s32 $0x68;
	s1 =	sadd.s32 s7, s1;
	s26 =	sadd.s32 $0x4E0, s8  }
0xf: {  	s30 =	sadd.s32 s9, s2;
	s8 =	sadd.s32 s6, s2;
	[dreg:$0x3] =	wrdreg s1  }
0x10: {  	s5 =	simm.s32 @!p0 $0x78;
	[dreg:$0x4] =	wrdreg s26;
	s31 =	sadd.s32 $0x3000, s30  }
0x11: {  	s10 =	sadd.s32 $0x6000, s30;
	s11 =	sadd.s32 $0x9000, s30;
	s12 =	sadd.s32 $0xC000, s30  }
0x12: {  	s13 =	sadd.s32 $0xF000, s30;
	s14 =	sadd.s32 $0x12000, s30;
	s16 =	sadd.s32 $0x33600, s0  }
0x13: {  	v0 =	vimm.f32 $0.0e+00;
	s26 =	simm.s32 $0x3;
	[dreg:$0x5] =	wrdreg s31;
	s15 =	sshrl.u32 s5, $0x1  }
.LBB2_1:
0x14: {  	s0 =	rddreg [dreg:$0x3]  }
0x15: {  	[tilespmem:s3], [sflag:$0x5] =	stream.linear.gather [hbm4b:s0+s3], $0x2A00, $0x38;
	[tilespmem:$0x1D000] =	vst v63  }
0x16: {  	_ =	swait.ge [sflag:s18], $0x2A00  }
0x17: {  	s1 =	simm.s32 @!p0 $0x2A00;
	[sflag:s18] =	ssyncset.done $0x0  }
0x18: {  	s0 =	simm.s32 @!p0 $0x0;
	s6 =	rddreg [dreg:$0x4];
	[sflag:s18] =	ssyncadd.s32 $0xFFFFD600  }
0x19: {  	[tilespmem:s1], [sflag:$0x5] =	stream.linear.gather @!p0 [hbm4b:s6+s0], $0x300, $0x38;
	[tilespmem:$0x1D000] =	vst v63  }
0x1a: {  	s30 =	sand.u32 $0xFE00, s3;
	s0 =	simm.s32 @!p0 $0x5  }
0x1b: {  	s31 =	sand.u32 $0x70, s3;
	s1 =	sshrl.u32 s30, $0x2;
	_ =	swait.ge @!p0 [sflag:s0], $0x300  }
0x1c: {  	s6 =	sor.u32 s31, s1;
	[sflag:s0] =	ssyncset.done @!p0 $0x0  }
0x1d: {  	s1 =	simm.s32 $0x0;
	[sflag:s0] =	ssyncadd.s32 @!p0 $0xFFFFFD00;
	s0 =	simm.s32 $0x40  }
.LBB2_2:
0x1e: {  	p1 =	sne.s32 s0, $0xBFC0  }
0x1f: {  	[tilespmem:s6+$0x3000] =	vst v0;
	s1 =	sadd.s32 $0x10, s1;
	s6 =	smov.u32 s0;
	s0 =	sadd.s32 $0x40, s0  }
.Ltmp0:
0x20: {  	(pc) =	sbr.rel @p1 .LBB2_2-.Ltmp0, $4  }
0x21: {  	_ = 	snop  }
0x22: {  	s6 =	sand.u32 $0xFE00, s6  }
0x23: {  	s21 =	sand.u32 $0x70, s1;
	s6 =	sshrl.u32 s6, $0x2  }
0x24: {  	s6 =	sor.u32 s21, s6  }
0x25: {  	[tilespmem:s6+$0x3000] =	vst v0  }
0x26: {  	[spmem:s8] =	stream.linear.scatter [tilespmem:s19], [sflag:$0x5], $0x3000, $0x38;
	[tilespmem:$0x1D000] =	vst v63  }
0x27: {  	_ =	swait.ge [sflag:s18], $0x3000  }
0x28: {  	[sflag:s18] =	ssyncset.done $0x0  }
0x29: {  	s0 =	rddreg [dreg:$0x5];
	[sflag:s18] =	ssyncadd.s32 $0xFFFFD000  }
0x2a: {  	[spmem:s0] =	stream.linear.scatter [tilespmem:s19], [sflag:$0x5], $0x3000, $0x38;
	[tilespmem:$0x1D000] =	vst v63  }
0x2b: {  	_ =	swait.ge [sflag:s18], $0x3000  }
0x2c: {  	[sflag:s18] =	ssyncset.done $0x0  }
0x2d: {  	[sflag:s18] =	ssyncadd.s32 $0xFFFFD000  }
0x2e: {  	[spmem:s10] =	stream.linear.scatter [tilespmem:s19], [sflag:$0x5], $0x3000, $0x38;
	[tilespmem:$0x1D000] =	vst v63  }
0x2f: {  	_ =	swait.ge [sflag:s18], $0x3000  }
0x30: {  	[sflag:s18] =	ssyncset.done $0x0  }
0x31: {  	[sflag:s18] =	ssyncadd.s32 $0xFFFFD000  }
0x32: {  	[spmem:s11] =	stream.linear.scatter [tilespmem:s19], [sflag:$0x5], $0x3000, $0x38;
	[tilespmem:$0x1D000] =	vst v63  }
0x33: {  	_ =	swait.ge [sflag:s18], $0x3000  }
0x34: {  	[sflag:s18] =	ssyncset.done $0x0  }
0x35: {  	[sflag:s18] =	ssyncadd.s32 $0xFFFFD000  }
0x36: {  	[spmem:s12] =	stream.linear.scatter [tilespmem:s19], [sflag:$0x5], $0x3000, $0x38;
	[tilespmem:$0x1D000] =	vst v63  }
0x37: {  	_ =	swait.ge [sflag:s18], $0x3000  }
0x38: {  	[sflag:s18] =	ssyncset.done $0x0  }
0x39: {  	[sflag:s18] =	ssyncadd.s32 $0xFFFFD000  }
0x3a: {  	[spmem:s13] =	stream.linear.scatter [tilespmem:s19], [sflag:$0x5], $0x3000, $0x38;
	[tilespmem:$0x1D000] =	vst v63  }
0x3b: {  	_ =	swait.ge [sflag:s18], $0x3000  }
0x3c: {  	[sflag:s18] =	ssyncset.done $0x0  }
0x3d: {  	[sflag:s18] =	ssyncadd.s32 $0xFFFFD000  }
0x3e: {  	[spmem:s14] =	stream.linear.scatter [tilespmem:s19], [sflag:$0x5], $0x2000, $0x38;
	[tilespmem:$0x1D000] =	vst v63  }
0x3f: {  	_ =	swait.ge [sflag:s18], $0x2000  }
0x40: {  	[sflag:s18] =	ssyncset.done $0x0  }
0x41: {  	[sflag:s18] =	ssyncadd.s32 $0xFFFFE000  }
0x42: {  	v1 =	vld [tilespmem:$0x0];
	_ =	sdelay $0x1  }
0x43: {  	v2 =	vld [tilespmem:$0x10];
	_ =	sdelay $0x1  }
0x44: {  	v3 =	vld [tilespmem:$0x20]  }
0x45: {  	v4 =	vshrl.u32 v1, $0xE  }
0x46: {  	v61 =	vld [tilespmem:$0x30];
	v1 =	vand.u32 $0x3FFF, v1;
	[tilespmem:$0x2E80] =	vst v4  }
0x47: {  	[tilespmem:$0x2D00] =	vst v1;
	v1 =	vshrl.u32 v2, $0xE  }
0x48: {  	[tilespmem:$0x2E90] =	vst v1;
	v1 =	vand.u32 $0x3FFF, v2;
	v2 =	vld [tilespmem:$0x40]  }
0x49: {  	[tilespmem:$0x2D10] =	vst v1;
	v1 =	vshrl.u32 v3, $0xE  }
0x4a: {  	[tilespmem:$0x2EA0] =	vst v1;
	v1 =	vand.u32 $0x3FFF, v3;
	v3 =	vld [tilespmem:$0x50]  }
0x4b: {  	[tilespmem:$0x2D20] =	vst v1;
	v1 =	vshrl.u32 v61, $0xE  }
0x4c: {  	v62 =	vld [tilespmem:$0x60];
	[tilespmem:$0x2EB0] =	vst v1;
	v1 =	vand.u32 $0x3FFF, v61  }
0x4d: {  	[tilespmem:$0x2D30] =	vst v1;
	v1 =	vshrl.u32 v2, $0xE  }
0x4e: {  	[tilespmem:$0x2EC0] =	vst v1;
	v1 =	vand.u32 $0x3FFF, v2;
	v2 =	vld [tilespmem:$0x70]  }
0x4f: {  	[tilespmem:$0x2D40] =	vst v1;
	v1 =	vshrl.u32 v3, $0xE  }
0x50: {  	[tilespmem:$0x2ED0] =	vst v1;
	v1 =	vand.u32 $0x3FFF, v3;
	v3 =	vld [tilespmem:$0x80]  }
0x51: {  	[tilespmem:$0x2D50] =	vst v1;
	v1 =	vshrl.u32 v62, $0xE  }
0x52: {  	v63 =	vld [tilespmem:$0x90];
	[tilespmem:$0x2EE0] =	vst v1;
	v1 =	vand.u32 $0x3FFF, v62  }
0x53: {  	[tilespmem:$0x2D60] =	vst v1;
	v1 =	vshrl.u32 v2, $0xE  }
0x54: {  	[tilespmem:$0x2EF0] =	vst v1;
	v1 =	vand.u32 $0x3FFF, v2;
	v2 =	vld [tilespmem:$0xA0]  }
0x55: {  	[tilespmem:$0x2D70] =	vst v1;
	v1 =	vshrl.u32 v3, $0xE  }
0x56: {  	[tilespmem:$0x2F00] =	vst v1;
	v1 =	vand.u32 $0x3FFF, v3;
	v3 =	vld [tilespmem:$0xB0]  }
0x57: {  	[tilespmem:$0x2D80] =	vst v1;
	v1 =	vshrl.u32 v63, $0xE  }
0x58: {  	[tilespmem:$0x2F10] =	vst v1;
	v1 =	vand.u32 $0x3FFF, v63  }
0x59: {  	[tilespmem:$0x2D90] =	vst v1;
	v1 =	vshrl.u32 v2, $0xE  }
0x5a: {  	[tilespmem:$0x2F20] =	vst v1;
	v1 =	vand.u32 $0x3FFF, v2  }
0x5b: {  	[tilespmem:$0x2DA0] =	vst v1;
	v1 =	vshrl.u32 v3, $0xE  }
0x5c: {  	[tilespmem:$0x2F30] =	vst v1;
	v1 =	vand.u32 $0x3FFF, v3  }
0x5d: {  	s9 =	simm.s32 $0x2E80;
	s22 =	simm.s32 $0x0;
	[tilespmem:$0x2DB0] =	vst v1  }
0x5e: {  	[tilespmem:s19], [sflag:$0x1] =	stream.indirect.gather [hbm4b:s4+s20], $0x80, s9, s20, $0xb8;
	[tilespmem:$0x1D000] =	vst v63  }
0x5f: {  	s21 =	simm.s32 $0x2EE0;
	s0 =	sand.u32 $0x2, s22  }
0x60: {  	[tilespmem:s23], [sflag:$0x2] =	stream.indirect.gather [hbm4b:s4+s20], $0x80, s21, s20, $0xb8;
	[tilespmem:$0x1D000] =	vst v63  }
0x61: {  	s0 =	smul.u32 $0x180, s0;
	[bflag:$0x0] =	sbarrier.arrive $0xFFFF  }
0x62: {  	_ =	swait.ge [sflag:s24], $0x3000  }
0x63: {  	s0 =	sshrl.u32 s0, $0x2;
	[sflag:s24] =	ssyncset.done $0x0  }
0x64: {  	s1 =	sor.u32 $0x2D00, s0;
	[sflag:s24] =	ssyncadd.s32 $0xFFFFD000  }
0x65: {  	[spmem:s2] =	stream.indirect.scatter.add.f32 [tilespmem:s19], [sflag:$0x3], $0x80, s1, s20, $0xb8;
	[tilespmem:$0x1D000] =	vst v63  }
0x66: {  	_ =	swait.ge [sflag:s25], $0x3000  }
0x67: {  	[sflag:s25] =	ssyncset.done $0x0  }
0x68: {  	s0 =	sadd.s32 $0x2D60, s0;
	[sflag:s25] =	ssyncadd.s32 $0xFFFFD000  }
0x69: {  	[spmem:s2] =	stream.indirect.scatter.add.f32 [tilespmem:s23], [sflag:$0x4], $0x80, s0, s20, $0xb8;
	[tilespmem:$0x1D000] =	vst v63  }
0x6a: {  	_ =	swait.ge [sflag:s26], $0x3000  }
0x6b: {  	[sflag:s26] =	ssyncset.done $0x0  }
0x6c: {  	s30 =	simm.s32 $0x170;
	p1 =	sle.u32 s5, $0x2;
	[sflag:s26] =	ssyncadd.s32 $0xFFFFD000  }
0x6d: {  	v1 =	vld @!p1 [tilespmem:s30+$0xFFFFFF50];
	_ =	sdelay $0x1  }
0x6e: {  	s31 =	simm.s32 $0x2  }
0x6f: {  	s0 =	sand.u32 @!p1 $0x2, s31  }
0x70: {  	s1 =	smul.u32 @!p1 $0x60, s0  }
0x71: {  	v2 =	vshrl.u32 @!p1 v1, $0xE  }
0x72: {  	v1 =	vand.u32 @!p1 $0x3FFF, v1;
	[tilespmem:s1+$0x2E80] =	vst @!p1 v2  }
0x73: {  	[tilespmem:s1+$0x2D00] =	vst @!p1 v1  }
0x74: {  	v1 =	vld @!p1 [tilespmem:s30+$0xFFFFFF60];
	_ =	sdelay $0x4  }
0x75: {  	v2 =	vshrl.u32 @!p1 v1, $0xE  }
0x76: {  	v1 =	vand.u32 @!p1 $0x3FFF, v1;
	[tilespmem:s1+$0x2E90] =	vst @!p1 v2  }
0x77: {  	[tilespmem:s1+$0x2D10] =	vst @!p1 v1  }
0x78: {  	v1 =	vld @!p1 [tilespmem:s30+$0xFFFFFF70];
	_ =	sdelay $0x4  }
0x79: {  	v2 =	vshrl.u32 @!p1 v1, $0xE  }
0x7a: {  	v1 =	vand.u32 @!p1 $0x3FFF, v1;
	[tilespmem:s1+$0x2EA0] =	vst @!p1 v2  }
0x7b: {  	[tilespmem:s1+$0x2D20] =	vst @!p1 v1  }
0x7c: {  	v1 =	vld @!p1 [tilespmem:s30+$0xFFFFFF80];
	_ =	sdelay $0x4  }
0x7d: {  	v2 =	vshrl.u32 @!p1 v1, $0xE  }
0x7e: {  	v1 =	vand.u32 @!p1 $0x3FFF, v1;
	[tilespmem:s1+$0x2EB0] =	vst @!p1 v2  }
0x7f: {  	[tilespmem:s1+$0x2D30] =	vst @!p1 v1  }
0x80: {  	v1 =	vld @!p1 [tilespmem:s30+$0xFFFFFF90];
	_ =	sdelay $0x4  }
0x81: {  	v2 =	vshrl.u32 @!p1 v1, $0xE  }
0x82: {  	v1 =	vand.u32 @!p1 $0x3FFF, v1;
	[tilespmem:s1+$0x2EC0] =	vst @!p1 v2  }
0x83: {  	[tilespmem:s1+$0x2D40] =	vst @!p1 v1  }
0x84: {  	v1 =	vld @!p1 [tilespmem:s30+$0xFFFFFFA0];
	_ =	sdelay $0x3  }
0x85: {  	s0 =	smul.u32 @!p1 $0x180, s0  }
0x86: {  	v2 =	vshrl.u32 @!p1 v1, $0xE  }
0x87: {  	s0 =	sshrl.u32 @!p1 s0, $0x2;
	v1 =	vand.u32 @!p1 $0x3FFF, v1;
	[tilespmem:s1+$0x2ED0] =	vst @!p1 v2  }
0x88: {  	s6 =	simm.s32 @!p1 $0x3000;
	s0 =	sadd.s32 @!p1 $0x2E80, s0;
	[tilespmem:s1+$0x2D50] =	vst @!p1 v1;
	s1 =	simm.s32 @!p1 $0x60  }
0x89: {  	[tilespmem:s6], [sflag:$0x1] =	stream.indirect.gather @!p1 [hbm4b:s4+s1], $0x80, s0, s1, $0xb8;
	[tilespmem:$0x1D000] =	vst v63  }
0x8a: {  	_ =	swait.ge [sflag:s28], $0x3000  }
0x8b: {  	[sflag:s28] =	ssyncset.done $0x0  }
0x8c: {  	p2 =	sle.u32 s5, $0x3;
	[sflag:s28] =	ssyncadd.s32 $0xFFFFD000  }
0x8d: {  	v1 =	vld @!p2 [tilespmem:s30+$0xFFFFFFB0];
	_ =	sdelay $0x1  }
0x8e: {  	s0 =	simm.s32 $0x3  }
0x8f: {  	s1 =	sand.u32 @!p2 $0x3, s0  }
0x90: {  	s0 =	smul.u32 @!p2 $0x60, s1  }
0x91: {  	v2 =	vshrl.u32 @!p2 v1, $0xE  }
0x92: {  	v1 =	vand.u32 @!p2 $0x3FFF, v1;
	[tilespmem:s0+$0x2E80] =	vst @!p2 v2  }
0x93: {  	[tilespmem:s0+$0x2D00] =	vst @!p2 v1  }
0x94: {  	v1 =	vld @!p2 [tilespmem:s30+$0xFFFFFFC0];
	_ =	sdelay $0x4  }
0x95: {  	v2 =	vshrl.u32 @!p2 v1, $0xE  }
0x96: {  	v1 =	vand.u32 @!p2 $0x3FFF, v1;
	[tilespmem:s0+$0x2E90] =	vst @!p2 v2  }
0x97: {  	[tilespmem:s0+$0x2D10] =	vst @!p2 v1  }
0x98: {  	v1 =	vld @!p2 [tilespmem:s30+$0xFFFFFFD0];
	_ =	sdelay $0x4  }
0x99: {  	v2 =	vshrl.u32 @!p2 v1, $0xE  }
0x9a: {  	v1 =	vand.u32 @!p2 $0x3FFF, v1;
	[tilespmem:s0+$0x2EA0] =	vst @!p2 v2  }
0x9b: {  	[tilespmem:s0+$0x2D20] =	vst @!p2 v1  }
0x9c: {  	v1 =	vld @!p2 [tilespmem:s30+$0xFFFFFFE0];
	_ =	sdelay $0x1  }
0x9d: {  	s6 =	smul.u32 @!p2 $0x180, s1;
	s1 =	sadd.s32 $0xFFFFFFFF, s15  }
0x9e: {  	p1 =	sne.s32 s1, $0x0  }
.Ltmp1:
0x9f: {  	_ = 	snop;
	(pc) =	sbr.rel @!p1 .LBB2_5-.Ltmp1, $4  }
0xa0: {  	v2 =	vshrl.u32 @!p2 v1, $0xE  }
0xa1: {  	v1 =	vand.u32 @!p2 $0x3FFF, v1;
	[tilespmem:s0+$0x2EB0] =	vst @!p2 v2  }
0xa2: {  	s6 =	sshrl.u32 @!p2 s6, $0x2;
	[tilespmem:s0+$0x2D30] =	vst @!p2 v1  }
0xa3: {  	s21 =	simm.s32 $0x170;
	s6 =	sadd.s32 @!p2 $0x2E80, s6;
	v1 =	vld @!p2 [tilespmem:s30+$0xFFFFFFF0]  }
.LBB2_4:
0xa4: {  	_ =	sdelay $0x1  }
0xa5: {  	s1 =	sadd.s32 $0xFFFFFFFF, s1;
	s21 =	sadd.s32 $0xC0, s21;
	s22 =	smov.u32 s31  }
0xa6: {  	p1 =	sne.s32 s1, $0x0  }
0xa7: {  	v2 =	vshrl.u32 @!p2 v1, $0xE;
	v1 =	vand.u32 @!p2 $0x3FFF, v1  }
0xa8: {  	[tilespmem:s0+$0x2EC0] =	vst @!p2 v2  }
0xa9: {  	[tilespmem:s0+$0x2D40] =	vst @!p2 v1  }
0xaa: {  	v1 =	vld @!p2 [tilespmem:s30+$0x0];
	s30 =	smov.u32 s21;
	_ =	sdelay $0x4  }
0xab: {  	v2 =	vshrl.u32 @!p2 v1, $0xE;
	v1 =	vand.u32 @!p2 $0x3FFF, v1  }
0xac: {  	s7 =	sand.u32 $0x2, s31;
	[tilespmem:s0+$0x2ED0] =	vst @!p2 v2  }
0xad: {  	s9 =	simm.s32 @!p2 $0x6000;
	s7 =	smul.u32 $0x180, s7;
	[tilespmem:s0+$0x2D50] =	vst @!p2 v1;
	s0 =	simm.s32 @!p2 $0x60  }
0xae: {  	[tilespmem:s9], [sflag:$0x2] =	stream.indirect.gather @!p2 [hbm4b:s4+s0], $0x80, s6, s0, $0xb8;
	[tilespmem:$0x1D000] =	vst v63  }
0xaf: {  	s0 =	sshrl.u32 s7, $0x2;
	_ =	swait.ge [sflag:s24], $0x3000  }
0xb0: {  	s6 =	sor.u32 $0x2D00, s0;
	[sflag:s24] =	ssyncset.done $0x0  }
0xb1: {  	[sflag:s24] =	ssyncadd.s32 $0xFFFFD000  }
0xb2: {  	[spmem:s2] =	stream.indirect.scatter.add.f32 [tilespmem:s19], [sflag:$0x3], $0x80, s6, s20, $0xb8;
	[tilespmem:$0x1D000] =	vst v63  }
0xb3: {  	_ =	swait.ge [sflag:s25], $0x3000  }
0xb4: {  	[sflag:s25] =	ssyncset.done $0x0  }
0xb5: {  	s0 =	sadd.s32 $0x2D60, s0;
	[sflag:s25] =	ssyncadd.s32 $0xFFFFD000  }
0xb6: {  	[spmem:s2] =	stream.indirect.scatter.add.f32 [tilespmem:s23], [sflag:$0x4], $0x80, s0, s20, $0xb8;
	[tilespmem:$0x1D000] =	vst v63  }
0xb7: {  	_ =	swait.ge [sflag:s26], $0x3000  }
0xb8: {  	s31 =	sadd.s32 $0x2, s31;
	[sflag:s26] =	ssyncset.done $0x0  }
0xb9: {  	p2 =	sge.u32 s31, s5;
	[sflag:s26] =	ssyncadd.s32 $0xFFFFD000  }
0xba: {  	s0 =	sand.u32 @!p2 $0x2, s31;
	v1 =	vld @!p2 [tilespmem:s21+$0xFFFFFF50]  }
0xbb: {  	s6 =	smul.u32 @!p2 $0x180, s0;
	_ =	sdelay $0x1  }
0xbc: {  	s7 =	sshrl.u32 @!p2 s6, $0x2  }
0xbd: {  	s6 =	smul.u32 @!p2 $0x60, s0;
	s0 =	sadd.s32 @!p2 $0x2E80, s7  }
0xbe: {  	v2 =	vshrl.u32 @!p2 v1, $0xE;
	v1 =	vand.u32 @!p2 $0x3FFF, v1  }
0xbf: {  	[tilespmem:s6+$0x2E80] =	vst @!p2 v2  }
0xc0: {  	[tilespmem:s6+$0x2D00] =	vst @!p2 v1  }
0xc1: {  	v1 =	vld @!p2 [tilespmem:s21+$0xFFFFFF60];
	_ =	sdelay $0x4  }
0xc2: {  	v2 =	vshrl.u32 @!p2 v1, $0xE;
	v1 =	vand.u32 @!p2 $0x3FFF, v1  }
0xc3: {  	[tilespmem:s6+$0x2E90] =	vst @!p2 v2  }
0xc4: {  	[tilespmem:s6+$0x2D10] =	vst @!p2 v1  }
0xc5: {  	v1 =	vld @!p2 [tilespmem:s21+$0xFFFFFF70];
	_ =	sdelay $0x4  }
0xc6: {  	v2 =	vshrl.u32 @!p2 v1, $0xE;
	v1 =	vand.u32 @!p2 $0x3FFF, v1  }
0xc7: {  	[tilespmem:s6+$0x2EA0] =	vst @!p2 v2  }
0xc8: {  	[tilespmem:s6+$0x2D20] =	vst @!p2 v1  }
0xc9: {  	v1 =	vld @!p2 [tilespmem:s21+$0xFFFFFF80];
	_ =	sdelay $0x4  }
0xca: {  	v2 =	vshrl.u32 @!p2 v1, $0xE;
	v1 =	vand.u32 @!p2 $0x3FFF, v1  }
0xcb: {  	[tilespmem:s6+$0x2EB0] =	vst @!p2 v2  }
0xcc: {  	[tilespmem:s6+$0x2D30] =	vst @!p2 v1  }
0xcd: {  	v1 =	vld @!p2 [tilespmem:s21+$0xFFFFFF90];
	_ =	sdelay $0x4  }
0xce: {  	v2 =	vshrl.u32 @!p2 v1, $0xE;
	v1 =	vand.u32 @!p2 $0x3FFF, v1  }
0xcf: {  	[tilespmem:s6+$0x2EC0] =	vst @!p2 v2  }
0xd0: {  	[tilespmem:s6+$0x2D40] =	vst @!p2 v1  }
0xd1: {  	v1 =	vld @!p2 [tilespmem:s21+$0xFFFFFFA0];
	_ =	sdelay $0x4  }
0xd2: {  	v2 =	vshrl.u32 @!p2 v1, $0xE;
	v1 =	vand.u32 @!p2 $0x3FFF, v1  }
0xd3: {  	[tilespmem:s6+$0x2ED0] =	vst @!p2 v2  }
0xd4: {  	s7 =	simm.s32 @!p2 $0x3000;
	[tilespmem:s6+$0x2D50] =	vst @!p2 v1;
	s6 =	simm.s32 @!p2 $0x60  }
0xd5: {  	[tilespmem:s7], [sflag:$0x1] =	stream.indirect.gather @!p2 [hbm4b:s4+s6], $0x80, s0, s6, $0xb8;
	[tilespmem:$0x1D000] =	vst v63  }
0xd6: {  	_ =	swait.ge [sflag:s28], $0x3000  }
0xd7: {  	s0 =	sadd.s32 $0x3, s22;
	[sflag:s28] =	ssyncset.done $0x0  }
0xd8: {  	p2 =	sge.u32 s0, s5;
	[sflag:s28] =	ssyncadd.s32 $0xFFFFD000  }
0xd9: {  	s0 =	sand.u32 @!p2 $0x3, s0;
	v1 =	vld @!p2 [tilespmem:s21+$0xFFFFFFB0]  }
0xda: {  	s6 =	smul.u32 @!p2 $0x180, s0;
	_ =	sdelay $0x1  }
0xdb: {  	s6 =	sshrl.u32 @!p2 s6, $0x2  }
0xdc: {  	s0 =	smul.u32 @!p2 $0x60, s0;
	s6 =	sadd.s32 @!p2 $0x2E80, s6  }
0xdd: {  	v2 =	vshrl.u32 @!p2 v1, $0xE;
	v1 =	vand.u32 @!p2 $0x3FFF, v1  }
0xde: {  	[tilespmem:s0+$0x2E80] =	vst @!p2 v2  }
0xdf: {  	[tilespmem:s0+$0x2D00] =	vst @!p2 v1  }
0xe0: {  	v1 =	vld @!p2 [tilespmem:s21+$0xFFFFFFC0];
	_ =	sdelay $0x4  }
0xe1: {  	v2 =	vshrl.u32 @!p2 v1, $0xE;
	v1 =	vand.u32 @!p2 $0x3FFF, v1  }
0xe2: {  	[tilespmem:s0+$0x2E90] =	vst @!p2 v2  }
0xe3: {  	[tilespmem:s0+$0x2D10] =	vst @!p2 v1  }
0xe4: {  	v1 =	vld @!p2 [tilespmem:s21+$0xFFFFFFD0];
	_ =	sdelay $0x4  }
0xe5: {  	v2 =	vshrl.u32 @!p2 v1, $0xE;
	v1 =	vand.u32 @!p2 $0x3FFF, v1  }
0xe6: {  	[tilespmem:s0+$0x2EA0] =	vst @!p2 v2  }
0xe7: {  	[tilespmem:s0+$0x2D20] =	vst @!p2 v1  }
0xe8: {  	v1 =	vld @!p2 [tilespmem:s21+$0xFFFFFFE0];
	_ =	sdelay $0x3  }
.Ltmp2:
0xe9: {  	(pc) =	sbr.rel @p1 .LBB2_4-.Ltmp2, $4  }
0xea: {  	v2 =	vshrl.u32 @!p2 v1, $0xE;
	v1 =	vand.u32 @!p2 $0x3FFF, v1  }
0xeb: {  	[tilespmem:s0+$0x2EB0] =	vst @!p2 v2  }
0xec: {  	[tilespmem:s0+$0x2D30] =	vst @!p2 v1  }
0xed: {  	v1 =	vld @!p2 [tilespmem:s21+$0xFFFFFFF0]  }
.LBB2_5:
0xee: {  	_ =	sdelay $0x3  }
0xef: {  	v2 =	vshrl.u32 @!p2 v1, $0xE  }
0xf0: {  	v1 =	vand.u32 @!p2 $0x3FFF, v1;
	[tilespmem:s0+$0x2EC0] =	vst @!p2 v2  }
0xf1: {  	[tilespmem:s0+$0x2D40] =	vst @!p2 v1  }
0xf2: {  	v1 =	vld @!p2 [tilespmem:s30+$0x0];
	_ =	sdelay $0x4  }
0xf3: {  	v2 =	vshrl.u32 @!p2 v1, $0xE  }
0xf4: {  	s1 =	simm.s32 @!p2 $0x6000;
	v1 =	vand.u32 @!p2 $0x3FFF, v1;
	[tilespmem:s0+$0x2ED0] =	vst @!p2 v2  }
0xf5: {  	s29 =	sadd.s32 $0x1, s29;
	s30 =	stileid.u32;
	[tilespmem:s0+$0x2D50] =	vst @!p2 v1;
	s0 =	simm.s32 @!p2 $0x60  }
0xf6: {  	[tilespmem:s1], [sflag:$0x2] =	stream.indirect.gather @!p2 [hbm4b:s4+s0], $0x80, s6, s0, $0xb8;
	[tilespmem:$0x1D000] =	vst v63  }
0xf7: {  	s31 =	sshrl.u32 s8, $0x3;
	p1 =	sne.s32 s29, s17;
	s0 =	sshll.u32 s30, $0x6  }
.Ltmp3:
0xf8: {  	[bflag:$0x0] =	sbarrier.arrive $0xFFFF;
	s0 =	sor.u32 $0x1C05, s0;
	(pc) =	sbr.rel @p1 .LBB2_1-.Ltmp3, $4  }
0xf9: {  	[hbm:s16], [sflag:s0] =	dma.local [spmem:s31], $0x2800  }
0xfa: {  	_ =	swait.ge [sflag:s18], $0x2800  }
0xfb: {  	[sflag:s18] =	ssyncset.done $0x0  }
0xfc: {  	[sflag:s18] =	ssyncadd.s32 $0xFFFFD800  }
0xfd: {  	_ =	sfence.sel $0x180000  }
0xfe: {  	[bflag:$0x0] =	sbarrier.arrive $0xFFFF  }
0xff: {  	_ =	strace $0x9000004A  }
0x100: {  	s0 =	stileid.u32;
	[bflag:$0x2] =	sbarrier.arrive $0xFFFF  }
0x101: {  	p0 =	sne.s32 s0, $0x0;
	s0 =	rddreg [dreg:$0x2]  }
0x102: {  	s0 =	sadd.s32 @!p0 $0x100000, s0  }
0x103: {  	[sflag:s0] =	ssyncadd.tile.s32 @!p0 $0x1;
	_ =	shalt  }
.Lfunc_end2:
_tile_overlayer_lowered:
.L_overlay_start_2:
0x104: {  	(tag) =	ssettag $0x2  }
0x105: {  	s0 =	rddreg [dreg:$0x0];
	s2 =	stileid.u32  }
0x106: {  	s1 =	rddreg [dreg:$0x1];
	p0 =	sne.s32 s2, $0x0  }
0x107: {  	s3 =	rddreg [dreg:$0x2];
	[bflag:$0x3] =	sbarrier.arrive $0xFFFF;
	s2 =	simm.s32 @!p0 $0x1C05  }
0x108: {  	[timem:s3], [sflag:s2] =	dma.local @!p0 [hbm:s0], s1  }
0x109: {  	s0 =	simm.s32 @!p0 $0x5  }
0x10a: {  	_ =	swait.ge @!p0 [sflag:s0], s1  }
0x10b: {  	s1 =	ssub.s32 @!p0 $0x0, s1;
	[sflag:s0] =	ssyncset.done @!p0 $0x0  }
0x10c: {  	[sflag:s0] =	ssyncadd.s32 @!p0 s1  }
0x10d: {  	[bflag:$0x3] =	sbarrier.arrive $0xFFFF  }
0x10e: {  	_ =	shalt  }

</sc_bundles>
